<compile_context>
chip_gen: v7x
topology: tpu7x:2x2x1
jax: 0.10.2.dev20260603
libtpu: 0.0.44.dev20260713+nightly
codegen_flags: <defaults>
</compile_context>

<pallas_src>
import functools

import jax
import jax.numpy as jnp
from jax import lax
from jax.experimental import pallas as pl
from jax.experimental.pallas import tpu as pltpu
from jax.experimental.pallas import tpu_sc as plsc

_V = 32000
_H = 1024
_K = 16
_A = _K + 1
_INNER = 2 * _H
_TAU = 1.0
_TBA = 64
_TBC = 64
_GCHUNK = 64


def _logits_body(x_ref, lbl_ref, alog_ref, idx_ref, mask_ref, lse_ref):
    x = x_ref[...]
    lbl = lbl_ref[...]
    tba = lbl.shape[0]
    imin = jnp.int32(-2147483648)
    col = lax.broadcasted_iota(jnp.int32, x.shape, 1)
    lbl_logit = jnp.sum(jnp.where(col == lbl, x, 0.0), axis=1, keepdims=True)
    b = lax.bitcast_convert_type(x, jnp.int32)
    y = jnp.where(b < 0, imin - b, b)
    packed = (y & jnp.int32(-32768)) | (jnp.int32(32767) - col)
    p3 = packed.reshape(tba, _V // 128, 128)
    m1 = jnp.max(p3, axis=1)
    r1 = jnp.where(p3 == m1[:, None, :], imin, p3)
    m2 = jnp.max(r1, axis=1)
    r2 = jnp.where(r1 == m2[:, None, :], imin, r1)
    m3 = jnp.max(r2, axis=1)
    cand = jnp.concatenate([m1, m2, m3], axis=1)
    vals = []
    idxs = []
    for _ in range(_K):
        mp = jnp.max(cand, axis=1, keepdims=True)
        cand = jnp.where(cand == mp, imin, cand)
        idxs.append(jnp.int32(32767) - (mp & jnp.int32(32767)))
        vb = mp & jnp.int32(-32768)
        fb = jnp.where(vb < 0, imin - vb, vb)
        vals.append(lax.bitcast_convert_type(fb, jnp.float32))
    tv = jnp.concatenate(vals, axis=1)
    ti = jnp.concatenate(idxs, axis=1)
    m = vals[0]
    s = jnp.sum(jnp.exp(x - m), axis=1, keepdims=True)
    lse_ref[...] = m + jnp.log(s)
    alog_ref[...] = jnp.concatenate([tv, lbl_logit], axis=1)
    idx_ref[...] = jnp.concatenate([ti, lbl], axis=1)
    dup = jnp.any(ti == lbl, axis=1, keepdims=True)
    mask_ref[...] = jnp.concatenate(
        [jnp.ones_like(tv), jnp.where(dup, 0.0, 1.0)], axis=1)


def _logits_pass(logits_flat, labels_i):
    bt = logits_flat.shape[0]
    grid = bt // _TBA
    return pl.pallas_call(
        _logits_body,
        grid=(grid,),
        in_specs=[
            pl.BlockSpec((_TBA, _V), lambda i: (i, 0)),
            pl.BlockSpec((_TBA, 1), lambda i: (i, 0)),
        ],
        out_specs=[
            pl.BlockSpec((_TBA, _A), lambda i: (i, 0)),
            pl.BlockSpec((_TBA, _A), lambda i: (i, 0)),
            pl.BlockSpec((_TBA, _A), lambda i: (i, 0)),
            pl.BlockSpec((_TBA, 1), lambda i: (i, 0)),
        ],
        out_shape=[
            jax.ShapeDtypeStruct((bt, _A), jnp.float32),
            jax.ShapeDtypeStruct((bt, _A), jnp.int32),
            jax.ShapeDtypeStruct((bt, _A), jnp.float32),
            jax.ShapeDtypeStruct((bt, 1), jnp.float32),
        ],
    )(logits_flat, labels_i)


def _gather_rows(table, idx_flat):
    n = idx_flat.shape[0]
    d = table.shape[1]
    info = plsc.get_sparse_core_info()
    nw = info.num_cores * info.num_subcores
    per_w = n // nw
    nch = per_w // _GCHUNK
    assert per_w * nw == n and nch * _GCHUNK == per_w
    mesh = plsc.VectorSubcoreMesh(core_axis_name="c", subcore_axis_name="s")

    @functools.partial(
        pl.kernel,
        mesh=mesh,
        out_type=jax.ShapeDtypeStruct((n, d), jnp.float32),
        scratch_types=[
            pltpu.VMEM((_GCHUNK,), jnp.int32),
            pltpu.VMEM((_GCHUNK, d), jnp.float32),
            pltpu.SemaphoreType.DMA,
        ],
    )
    def gk(table_hbm, idx_hbm, out_hbm, idx_v, rows_v, sem):
        wid = lax.axis_index("s") * info.num_cores + lax.axis_index("c")
        base = wid * per_w

        def body(c, carry):
            off = base + c * _GCHUNK
            pltpu.sync_copy(idx_hbm.at[pl.ds(off, _GCHUNK)], idx_v)
            pltpu.async_copy(table_hbm.at[idx_v], rows_v, sem).wait()
            pltpu.sync_copy(rows_v, out_hbm.at[pl.ds(off, _GCHUNK)])
            return carry

        lax.fori_loop(0, nch, body, 0)

    return gk(table, idx_flat)


def _mlp_body(emb_ref, hid_ref, fut_ref, alog_ref, mask_ref, lse_ref,
              valid_ref, w1h_ref, w1e_ref, w2_ref, b1_ref, b2_ref,
              g_ref, bta_ref, sum_ref, cnt_ref):
    tb = hid_ref.shape[0]
    bf = jnp.bfloat16
    e = emb_ref[...].reshape(_A * tb, _H).astype(bf)
    dn2 = (((1,), (1,)), ((), ()))
    ep = lax.dot_general(e, w1e_ref[...], dn2,
                         preferred_element_type=jnp.float32)
    hp = lax.dot_general(hid_ref[...].astype(bf), w1h_ref[...], dn2,
                         preferred_element_type=jnp.float32)
    z = ep.reshape(_A, tb, _INNER) + hp[None] + b1_ref[...][None]
    a = 0.5 * z * (1.0 + lax.erf(z * 0.7071067811865476))
    a2 = a.reshape(_A * tb, _INNER).astype(bf)
    dlt = lax.dot_general(a2, w2_ref[...], dn2,
                          preferred_element_type=jnp.float32) + b2_ref[...]
    mu = jnp.mean(dlt, axis=1, keepdims=True)
    var = jnp.mean((dlt - mu) ** 2, axis=1, keepdims=True)
    dn = (dlt - mu) / jnp.sqrt(var + 1e-5) * g_ref[...] + bta_ref[...]
    d3 = dn.reshape(_A, tb, _H)
    f = fut_ref[...]
    num = jnp.sum(d3 * f[None], axis=2)
    sq = jnp.sum(d3 * d3, axis=2)
    ri = lax.broadcasted_iota(jnp.int32, (_A, _A), 0)
    ci = lax.broadcasted_iota(jnp.int32, (_A, _A), 1)
    eye = (ri == ci).astype(jnp.float32)
    dnt = (((0,), (0,)), ((), ()))
    numt = lax.dot_general(num, eye, dnt, preferred_element_type=jnp.float32)
    nat = jnp.sqrt(lax.dot_general(sq, eye, dnt,
                                   preferred_element_type=jnp.float32))
    nb = jnp.sqrt(jnp.sum(f * f, axis=1, keepdims=True))
    cos = numt / (jnp.maximum(nat, 1e-8) * jnp.maximum(nb, 1e-8))
    mask = mask_ref[...]
    scores = jnp.where(mask > 0, cos, -1e9) / _TAU
    sm = jnp.max(scores, axis=1, keepdims=True)
    ex = jnp.exp(scores - sm)
    r = ex / jnp.sum(ex, axis=1, keepdims=True) * mask
    alp = alog_ref[...] - lse_ref[...]
    pt = -jnp.sum(r * alp * mask, axis=1, keepdims=True)
    v = valid_ref[...]

    @pl.when(pl.program_id(0) == 0)
    def _():
        sum_ref[...] = jnp.zeros_like(sum_ref)
        cnt_ref[...] = jnp.zeros_like(cnt_ref)

    sum_ref[...] += jnp.sum(pt * v).reshape(1, 1)
    cnt_ref[...] += jnp.sum(v).reshape(1, 1)


def _mlp_pass(emb3, hidden, future, alog_t, mask_t, lse_t, valid_t,
              w1h, w1e, w2, b1r, b2r, gr, br):
    bt = hidden.shape[0]
    grid = bt // _TBC
    full = lambda i: (0, 0)
    return pl.pallas_call(
        _mlp_body,
        grid=(grid,),
        in_specs=[
            pl.BlockSpec((_A, _TBC, _H), lambda i: (0, i, 0)),
            pl.BlockSpec((_TBC, _H), lambda i: (i, 0)),
            pl.BlockSpec((_TBC, _H), lambda i: (i, 0)),
            pl.BlockSpec((_TBC, _A), lambda i: (i, 0)),
            pl.BlockSpec((_TBC, _A), lambda i: (i, 0)),
            pl.BlockSpec((_TBC, 1), lambda i: (i, 0)),
            pl.BlockSpec((_TBC, 1), lambda i: (i, 0)),
            pl.BlockSpec((_INNER, _H), full),
            pl.BlockSpec((_INNER, _H), full),
            pl.BlockSpec((_H, _INNER), full),
            pl.BlockSpec((1, _INNER), full),
            pl.BlockSpec((1, _H), full),
            pl.BlockSpec((1, _H), full),
            pl.BlockSpec((1, _H), full),
        ],
        out_specs=[
            pl.BlockSpec((1, 1), full),
            pl.BlockSpec((1, 1), full),
        ],
        out_shape=[
            jax.ShapeDtypeStruct((1, 1), jnp.float32),
            jax.ShapeDtypeStruct((1, 1), jnp.float32),
        ],
    )(emb3, hidden, future, alog_t, mask_t, lse_t, valid_t,
      w1h, w1e, w2, b1r, b2r, gr, br)


def kernel(logits, hidden_states, labels, future_summaries, future_valid,
           embed_weight, attention_mask, W1, b1, W2, b2, ln_gamma, ln_beta):
    v = logits.shape[-1]
    h = hidden_states.shape[-1]
    bt = logits.shape[0] * logits.shape[1]
    logits_flat = logits.reshape(bt, v)
    labels_i = labels.reshape(bt, 1).astype(jnp.int32)

    alog, idx17, mask17, lse = _logits_pass(logits_flat, labels_i)

    idx_flat = idx17.T.reshape(-1)
    emb = _gather_rows(embed_weight, idx_flat)
    emb3 = emb.reshape(_A, bt, h)

    valid = ((labels.reshape(-1) != -100)
             & attention_mask.reshape(-1)
             & future_valid.reshape(-1)).astype(jnp.float32).reshape(bt, 1)

    s, c = _mlp_pass(
        emb3,
        hidden_states.reshape(bt, h),
        future_summaries.reshape(bt, h),
        alog, mask17, lse, valid,
        W1[:, :h].astype(jnp.bfloat16), W1[:, h:].astype(jnp.bfloat16),
        W2.astype(jnp.bfloat16),
        b1.reshape(1, -1), b2.reshape(1, -1),
        ln_gamma.reshape(1, -1), ln_beta.reshape(1, -1))
    return s[0, 0] / jnp.maximum(c[0, 0], 1.0)

# --- scband reference (transcript-rebuilt; emitter-appended) ---
"""Pipeline reference for scband-action-layer-17205638988619 (READ-ONLY COPY).

The authoritative reference and input builder live on the scoring server;
editing this copy changes nothing except your own understanding.
"""

import jax, jax.numpy as jnp
import numpy as np

B, T, V, H = 1, 2048, 32000, 1024
TOP_K = 16
TAU = 1.0
INNER = 2 * H


def setup_inputs(seed: int = 0) -> dict:
    key = jax.random.key(seed)
    ks = jax.random.split(key, 10)
    logits = jax.random.normal(ks[0], (B, T, V), dtype=jnp.float32)
    hidden_states = jax.random.normal(ks[1], (B, T, H), dtype=jnp.float32)
    labels = jax.random.randint(ks[2], (B, T), 0, V)
    future_summaries = jax.random.normal(ks[3], (B, T, H), dtype=jnp.float32)
    future_valid = jnp.ones((B, T), dtype=bool)
    embed_weight = jax.random.normal(ks[4], (V, H), dtype=jnp.float32) * 0.02
    attention_mask = jnp.ones((B, T), dtype=bool)
    W1 = jax.random.normal(ks[5], (INNER, 2 * H), dtype=jnp.float32) * (1.0 / np.sqrt(2 * H))
    b1 = jnp.zeros((INNER,), dtype=jnp.float32)
    W2 = jax.random.normal(ks[6], (H, INNER), dtype=jnp.float32) * (1.0 / np.sqrt(INNER))
    b2 = jnp.zeros((H,), dtype=jnp.float32)
    ln_gamma = jnp.ones((H,), dtype=jnp.float32)
    ln_beta = jnp.zeros((H,), dtype=jnp.float32)
    return {
        'logits': logits, 'hidden_states': hidden_states, 'labels': labels,
        'future_summaries': future_summaries, 'future_valid': future_valid,
        'embed_weight': embed_weight, 'attention_mask': attention_mask,
        'W1': W1, 'b1': b1, 'W2': W2, 'b2': b2, 'ln_gamma': ln_gamma, 'ln_beta': ln_beta,
    }


def _layer_norm(x, gamma, beta, eps=1e-5):
    mu = jnp.mean(x, axis=-1, keepdims=True)
    var = jnp.var(x, axis=-1, keepdims=True)
    return (x - mu) / jnp.sqrt(var + eps) * gamma + beta


def _build_action_set(logits_flat, labels_flat):
    # @torch.no_grad() equivalent: caller passes stop_gradient(logits)
    bt = logits_flat.shape[0]
    _, topk_idx = jax.lax.top_k(logits_flat, TOP_K)
    combined = jnp.concatenate([topk_idx.astype(jnp.int32), labels_flat.astype(jnp.int32)[:, None]], axis=1)
    m = combined.shape[1]
    sort_order = jnp.argsort(combined, axis=1)
    sorted_idx = jnp.take_along_axis(combined, sort_order, axis=1)
    unique_mask_sorted = jnp.concatenate(
        [jnp.ones((bt, 1), dtype=bool), sorted_idx[:, 1:] != sorted_idx[:, :-1]], axis=1)
    unsort_order = jnp.argsort(sort_order, axis=1)
    unique_mask = jnp.take_along_axis(unique_mask_sorted, unsort_order, axis=1)
    position = jnp.cumsum(unique_mask.astype(jnp.int32), axis=1) - 1
    # route duplicate entries to a dump slot m (sliced away) - mirrors torch nonzero-scatter
    pos = jnp.where(unique_mask, position, m)
    rows = jnp.broadcast_to(jnp.arange(bt)[:, None], (bt, m))
    action_indices = jnp.zeros((bt, m + 1), dtype=jnp.int32).at[rows, pos].set(combined)[:, :m]
    action_mask = jnp.zeros((bt, m + 1), dtype=bool).at[rows, pos].set(True)[:, :m]
    return action_indices, action_mask


def _cosine(a, b, eps=1e-8):
    num = jnp.sum(a * b, axis=-1)
    na = jnp.sqrt(jnp.sum(a * a, axis=-1))
    nb = jnp.sqrt(jnp.sum(b * b, axis=-1))
    return num / (jnp.maximum(na, eps) * jnp.maximum(nb, eps))


def reference(logits, hidden_states, labels, future_summaries, future_valid,
              embed_weight, attention_mask, W1, b1, W2, b2, ln_gamma, ln_beta):
    v = logits.shape[-1]
    h = hidden_states.shape[-1]
    logits_flat = logits.reshape(-1, v)
    hidden_flat = hidden_states.reshape(-1, h)
    labels_flat = labels.reshape(-1)
    future_flat = future_summaries.reshape(-1, h)
    valid_mask = (labels_flat != -100) & attention_mask.reshape(-1) & future_valid.reshape(-1)
    action_indices, action_mask = _build_action_set(jax.lax.stop_gradient(logits_flat), labels_flat)
    token_embeds = jnp.take(embed_weight, action_indices, axis=0)  # (BT, A, H)
    hidden_expanded = jnp.broadcast_to(hidden_flat[:, None, :], token_embeds.shape)
    future_expanded = jnp.broadcast_to(future_flat[:, None, :], token_embeds.shape)
    # head_type == 'mlp'
    fused = jnp.concatenate([hidden_expanded, token_embeds], axis=-1)
    hid = jax.nn.gelu(fused @ W1.T + b1, approximate=False)
    delta = hid @ W2.T + b2
    delta = _layer_norm(delta, ln_gamma, ln_beta)
    action_repr = delta  # residual=False
    scores = _cosine(action_repr, future_expanded)  # score_type='cosine'
    # gt_bias == 0.0 -> skip
    scores = jnp.where(action_mask, scores, -1e9)
    rewards = jax.nn.softmax(scores / TAU, axis=-1)
    rewards = rewards * action_mask
    # mean_threshold=False, reward_clamp=None
    # policy-gradient-style loss over the action set
    log_probs = jax.nn.log_softmax(logits_flat, axis=-1)
    action_log_probs = jnp.take_along_axis(log_probs, action_indices.astype(jnp.int32), axis=1)
    per_token = -jnp.sum(rewards * action_log_probs * action_mask, axis=-1)
    denom = jnp.maximum(jnp.sum(valid_mask.astype(jnp.float32)), 1.0)
    loss = jnp.sum(jnp.where(valid_mask, per_token, 0.0)) / denom
    return loss

if __name__ == "__main__":
    import jax
    _d = setup_inputs()
    print(jax.jit(kernel)(*tuple(_d.values())))

</pallas_src>

<mosaic_0001>
#map = affine_map<(d0, d1) -> (0, 0)>
#map1 = affine_map<(d0, d1) -> (0)>
module attributes {stable_mosaic.version = 14 : i64} {
  func.func @gk(%arg0: i32, %arg1: i32, %arg2: memref<32000x1024xf32, #tpu.memory_space<hbm>>, %arg3: memref<34816xi32, #tpu.memory_space<hbm>>, %arg4: memref<34816x1024xf32, #tpu.memory_space<hbm>>, %arg5: memref<64xi32, #tpu.memory_space<vmem>>, %arg6: memref<64x1024xf32, #tpu.memory_space<vmem>>, %arg7: memref<!tpu.dma_semaphore, #tpu.memory_space<semaphore_mem>>) attributes {dimension_semantics = [#tpu.dimension_semantics<core_parallel>, #tpu.dimension_semantics<subcore_parallel>], iteration_bounds = array<i64: 2, 16>, scalar_prefetch = 0 : i64, scratch_operands = 3 : i64, tpu.core_type = #tpu.core_type<sc_vector_subcore>, window_params = [{transform_indices = #map}, {transform_indices = #map1}, {transform_indices = #map}]} {
    %mul3A = arith.constant 2 : i32
    %mul3A_0 = arith.muli %arg1, %mul3A : i32
    %add3A = arith.addi %mul3A_0, %arg0 : i32
    %mul3A_1 = arith.constant 1088 : i32
    %mul3A_2 = arith.muli %add3A, %mul3A_1 : i32
    %scan3A = arith.constant 0 : i32
    %scan3A_3 = arith.constant 0 : i32
    %scan3A_4 = arith.constant 17 : i32
    %scan3A_5 = arith.addi %scan3A_3, %scan3A_4 : i32
    %scan3A_6 = arith.constant 1 : i32
    scf.for %scan3A_8 = %scan3A_3 to %scan3A_5 step %scan3A_6  : i32 {
      %mul3A_9 = arith.constant 64 : i32
      %mul3A_10 = arith.muli %scan3A_8, %mul3A_9 : i32
      %add3A_11 = arith.addi %mul3A_2, %mul3A_10 : i32
      "tpu.region"() ({
        %run_scoped3A = tpu.sem_alloc : memref<!tpu.dma_semaphore, #tpu.memory_space<semaphore_mem>>
        %dma_start3A_16 = tpu.memref_slice %arg3[%add3A_11] : memref<34816xi32, #tpu.memory_space<hbm>> -> memref<64xi32, #tpu.memory_space<hbm>>
        %dma_start3A_17 = tpu.memref_slice %arg3[%add3A_11] : memref<34816xi32, #tpu.memory_space<hbm>> -> memref<64xi32, #tpu.memory_space<hbm>>
        tpu.enqueue_dma source(%dma_start3A_17 : memref<64xi32, #tpu.memory_space<hbm>>) target(%arg5 : memref<64xi32, #tpu.memory_space<vmem>>) target_semaphore(%run_scoped3A : memref<!tpu.dma_semaphore, #tpu.memory_space<semaphore_mem>>)
        %dma_wait3A_18 = tpu.memref_slice %arg3[%add3A_11] : memref<34816xi32, #tpu.memory_space<hbm>> -> memref<64xi32, #tpu.memory_space<hbm>>
        %dma_wait3A_19 = tpu.memref_slice %arg3[%add3A_11] : memref<34816xi32, #tpu.memory_space<hbm>> -> memref<64xi32, #tpu.memory_space<hbm>>
        tpu.wait_dma2 semaphore(%run_scoped3A : memref<!tpu.dma_semaphore, #tpu.memory_space<semaphore_mem>>) src(%dma_wait3A_19 : memref<64xi32, #tpu.memory_space<hbm>>) dst(%arg5 : memref<64xi32, #tpu.memory_space<vmem>>)
        tpu.yield
      }) : () -> ()
      %dma_start3A = arith.constant 0 : i32
      %dma_start3A_12 = arith.constant 0 : i32
      %dma_start3A_13 = tpu.memref_slice %arg2[%dma_start3A, %dma_start3A_12] : memref<32000x1024xf32, #tpu.memory_space<hbm>> -> memref<32000x1024xf32, #tpu.memory_space<hbm>>
      tpu.enqueue_indirect_dma source(%dma_start3A_13 : memref<32000x1024xf32, #tpu.memory_space<hbm>>) target(%arg6 : memref<64x1024xf32, #tpu.memory_space<vmem>>) offsets(%arg5 : memref<64xi32, #tpu.memory_space<vmem>>) semaphore(%arg7 : memref<!tpu.dma_semaphore, #tpu.memory_space<semaphore_mem>>)
      %dma_wait3A = arith.constant 0 : i32
      %dma_wait3A_14 = arith.constant 0 : i32
      %dma_wait3A_15 = tpu.memref_slice %arg2[%dma_wait3A, %dma_wait3A_14] : memref<32000x1024xf32, #tpu.memory_space<hbm>> -> memref<32000x1024xf32, #tpu.memory_space<hbm>>
      tpu.wait_indirect_dma semaphore(%arg7 : memref<!tpu.dma_semaphore, #tpu.memory_space<semaphore_mem>>) src(%dma_wait3A_15 : memref<32000x1024xf32, #tpu.memory_space<hbm>>) dst(%arg6 : memref<64x1024xf32, #tpu.memory_space<vmem>>)
      "tpu.region"() ({
        %run_scoped3A = tpu.sem_alloc : memref<!tpu.dma_semaphore, #tpu.memory_space<semaphore_mem>>
        %dma_start3A_16 = arith.constant 0 : i32
        %dma_start3A_17 = tpu.memref_slice %arg4[%add3A_11, %dma_start3A_16] : memref<34816x1024xf32, #tpu.memory_space<hbm>> -> memref<64x1024xf32, #tpu.memory_space<hbm>>
        %dma_start3A_18 = arith.constant 0 : i32
        %dma_start3A_19 = tpu.memref_slice %arg4[%add3A_11, %dma_start3A_18] : memref<34816x1024xf32, #tpu.memory_space<hbm>> -> memref<64x1024xf32, #tpu.memory_space<hbm>>
        tpu.enqueue_dma source(%arg6 : memref<64x1024xf32, #tpu.memory_space<vmem>>) target(%dma_start3A_19 : memref<64x1024xf32, #tpu.memory_space<hbm>>) target_semaphore(%run_scoped3A : memref<!tpu.dma_semaphore, #tpu.memory_space<semaphore_mem>>)
        %dma_wait3A_20 = arith.constant 0 : i32
        %dma_wait3A_21 = tpu.memref_slice %arg4[%add3A_11, %dma_wait3A_20] : memref<34816x1024xf32, #tpu.memory_space<hbm>> -> memref<64x1024xf32, #tpu.memory_space<hbm>>
        %dma_wait3A_22 = arith.constant 0 : i32
        %dma_wait3A_23 = tpu.memref_slice %arg4[%add3A_11, %dma_wait3A_22] : memref<34816x1024xf32, #tpu.memory_space<hbm>> -> memref<64x1024xf32, #tpu.memory_space<hbm>>
        tpu.wait_dma2 semaphore(%run_scoped3A : memref<!tpu.dma_semaphore, #tpu.memory_space<semaphore_mem>>) src(%arg6 : memref<64x1024xf32, #tpu.memory_space<vmem>>) dst(%dma_wait3A_23 : memref<64x1024xf32, #tpu.memory_space<hbm>>)
        tpu.yield
      }) : () -> ()
    }
    %scan3A_7 = arith.constant 17 : i32
    return
  }
}

module attributes {stable_mosaic.version = 14 : i64} {
  func.func @_logits_body(%arg0: i32, %arg1: memref<64x32000xf32, #tpu.memory_space<vmem>>, %arg2: memref<64x1xi32, #tpu.memory_space<vmem>>, %arg3: memref<64x17xf32, #tpu.memory_space<vmem>>, %arg4: memref<64x17xi32, #tpu.memory_space<vmem>>, %arg5: memref<64x17xf32, #tpu.memory_space<vmem>>, %arg6: memref<64x1xf32, #tpu.memory_space<vmem>>) attributes {dimension_semantics = [#tpu.dimension_semantics<arbitrary>], iteration_bounds = array<i64: 32>, scalar_prefetch = 0 : i64, scratch_operands = 0 : i64, tpu.core_type = #tpu.core_type<tc>, window_params = [{transform_indices = @transform_0, window_bounds = array<i64: 64, 32000>}, {transform_indices = @transform_1, window_bounds = array<i64: 64, 1>}, {transform_indices = @transform_2, window_bounds = array<i64: 64, 17>}, {transform_indices = @transform_3, window_bounds = array<i64: 64, 17>}, {transform_indices = @transform_4, window_bounds = array<i64: 64, 17>}, {transform_indices = @transform_5, window_bounds = array<i64: 64, 1>}]} {
    %get3A = arith.constant 0 : index
    %get3A_0 = arith.constant 0 : index
    %get3A_1 = vector.load %arg1[%get3A, %get3A_0] : memref<64x32000xf32, #tpu.memory_space<vmem>>, vector<64x32000xf32>
    %get3A_2 = arith.constant 0 : index
    %get3A_3 = arith.constant 0 : index
    %get3A_4 = vector.load %arg2[%get3A_2, %get3A_3] : memref<64x1xi32, #tpu.memory_space<vmem>>, vector<64x1xi32>
    %iota3A = tpu.iota {dimensions = array<i32: 1>} : vector<64x32000xi32>
    %eq3A = vector.broadcast %get3A_4 : vector<64x1xi32> to vector<64x32000xi32>
    %eq3A_5 = arith.cmpi eq, %iota3A, %eq3A : vector<64x32000xi32>
    %jit3A = arith.constant 0.000000e+00 : f32
    %broadcast_in_dim3A = vector.broadcast %jit3A : f32 to vector<64x32000xf32>
    %select_n3A = arith.select %eq3A_5, %get3A_1, %broadcast_in_dim3A : vector<64x32000xi1>, vector<64x32000xf32>
    %reduce_sum3A = arith.constant dense<0.000000e+00> : vector<64xf32>
    %reduce_sum3A_6 = vector.multi_reduction <add>, %select_n3A, %reduce_sum3A [1] : vector<64x32000xf32> to vector<64xf32>
    %broadcast_in_dim3A_7 = vector.shape_cast %reduce_sum3A_6 : vector<64xf32> to vector<64x1xf32>
    %bitcast_convert_type3A = tpu.bitcast %get3A_1 : vector<64x32000xf32> -> vector<64x32000xi32>
    %lt3A = arith.constant 0 : i32
    %lt3A_8 = vector.broadcast %lt3A : i32 to vector<64x32000xi32>
    %lt3A_9 = arith.cmpi slt, %bitcast_convert_type3A, %lt3A_8 : vector<64x32000xi32>
    %sub3A = arith.constant -2147483648 : i32
    %sub3A_10 = vector.broadcast %sub3A : i32 to vector<64x32000xi32>
    %sub3A_11 = arith.subi %sub3A_10, %bitcast_convert_type3A : vector<64x32000xi32>
    %select_n3A_12 = arith.select %lt3A_9, %sub3A_11, %bitcast_convert_type3A : vector<64x32000xi1>, vector<64x32000xi32>
    %and3A = arith.constant -32768 : i32
    %and3A_13 = vector.broadcast %and3A : i32 to vector<64x32000xi32>
    %and3A_14 = arith.andi %select_n3A_12, %and3A_13 : vector<64x32000xi32>
    %sub3A_15 = arith.constant 32767 : i32
    %sub3A_16 = vector.broadcast %sub3A_15 : i32 to vector<64x32000xi32>
    %sub3A_17 = arith.subi %sub3A_16, %iota3A : vector<64x32000xi32>
    %or3A = arith.ori %and3A_14, %sub3A_17 : vector<64x32000xi32>
    %reshape3A = vector.shape_cast %or3A : vector<64x32000xi32> to vector<64x250x128xi32>
    %reduce_max3A = arith.constant dense<-2147483648> : vector<64x128xi32>
    %reduce_max3A_18 = vector.multi_reduction <maxsi>, %reshape3A, %reduce_max3A [1] : vector<64x250x128xi32> to vector<64x128xi32>
    %broadcast_in_dim3A_19 = vector.shape_cast %reduce_max3A_18 : vector<64x128xi32> to vector<64x1x128xi32>
    %eq3A_20 = vector.broadcast %broadcast_in_dim3A_19 : vector<64x1x128xi32> to vector<64x250x128xi32>
    %eq3A_21 = arith.cmpi eq, %reshape3A, %eq3A_20 : vector<64x250x128xi32>
    %jit3A_22 = arith.constant -2147483648 : i32
    %broadcast_in_dim3A_23 = vector.broadcast %jit3A_22 : i32 to vector<64x250x128xi32>
    %select_n3A_24 = arith.select %eq3A_21, %broadcast_in_dim3A_23, %reshape3A : vector<64x250x128xi1>, vector<64x250x128xi32>
    %reduce_max3A_25 = arith.constant dense<-2147483648> : vector<64x128xi32>
    %reduce_max3A_26 = vector.multi_reduction <maxsi>, %select_n3A_24, %reduce_max3A_25 [1] : vector<64x250x128xi32> to vector<64x128xi32>
    %broadcast_in_dim3A_27 = vector.shape_cast %reduce_max3A_26 : vector<64x128xi32> to vector<64x1x128xi32>
    %eq3A_28 = vector.broadcast %broadcast_in_dim3A_27 : vector<64x1x128xi32> to vector<64x250x128xi32>
    %eq3A_29 = arith.cmpi eq, %select_n3A_24, %eq3A_28 : vector<64x250x128xi32>
    %jit3A_30 = arith.constant -2147483648 : i32
    %broadcast_in_dim3A_31 = vector.broadcast %jit3A_30 : i32 to vector<64x250x128xi32>
    %select_n3A_32 = arith.select %eq3A_29, %broadcast_in_dim3A_31, %select_n3A_24 : vector<64x250x128xi1>, vector<64x250x128xi32>
    %reduce_max3A_33 = arith.constant dense<-2147483648> : vector<64x128xi32>
    %reduce_max3A_34 = vector.multi_reduction <maxsi>, %select_n3A_32, %reduce_max3A_33 [1] : vector<64x250x128xi32> to vector<64x128xi32>
    %concatenate3A = tpu.concatenate %reduce_max3A_18, %reduce_max3A_26, %reduce_max3A_34 in 1 : vector<64x128xi32>, vector<64x128xi32>, vector<64x128xi32> -> vector<64x384xi32>
    %reduce_max3A_35 = arith.constant dense<-2147483648> : vector<64xi32>
    %reduce_max3A_36 = vector.multi_reduction <maxsi>, %concatenate3A, %reduce_max3A_35 [1] : vector<64x384xi32> to vector<64xi32>
    %broadcast_in_dim3A_37 = vector.shape_cast %reduce_max3A_36 : vector<64xi32> to vector<64x1xi32>
    %eq3A_38 = vector.broadcast %broadcast_in_dim3A_37 : vector<64x1xi32> to vector<64x384xi32>
    %eq3A_39 = arith.cmpi eq, %concatenate3A, %eq3A_38 : vector<64x384xi32>
    %jit3A_40 = arith.constant -2147483648 : i32
    %broadcast_in_dim3A_41 = vector.broadcast %jit3A_40 : i32 to vector<64x384xi32>
    %select_n3A_42 = arith.select %eq3A_39, %broadcast_in_dim3A_41, %concatenate3A : vector<64x384xi1>, vector<64x384xi32>
    %and3A_43 = arith.constant 32767 : i32
    %and3A_44 = vector.broadcast %and3A_43 : i32 to vector<64x1xi32>
    %and3A_45 = arith.andi %broadcast_in_dim3A_37, %and3A_44 : vector<64x1xi32>
    %sub3A_46 = arith.constant 32767 : i32
    %sub3A_47 = vector.broadcast %sub3A_46 : i32 to vector<64x1xi32>
    %sub3A_48 = arith.subi %sub3A_47, %and3A_45 : vector<64x1xi32>
    %and3A_49 = arith.constant -32768 : i32
    %and3A_50 = vector.broadcast %and3A_49 : i32 to vector<64x1xi32>
    %and3A_51 = arith.andi %broadcast_in_dim3A_37, %and3A_50 : vector<64x1xi32>
    %lt3A_52 = arith.constant 0 : i32
    %lt3A_53 = vector.broadcast %lt3A_52 : i32 to vector<64x1xi32>
    %lt3A_54 = arith.cmpi slt, %and3A_51, %lt3A_53 : vector<64x1xi32>
    %sub3A_55 = arith.constant -2147483648 : i32
    %sub3A_56 = vector.broadcast %sub3A_55 : i32 to vector<64x1xi32>
    %sub3A_57 = arith.subi %sub3A_56, %and3A_51 : vector<64x1xi32>
    %select_n3A_58 = arith.select %lt3A_54, %sub3A_57, %and3A_51 : vector<64x1xi1>, vector<64x1xi32>
    %bitcast_convert_type3A_59 = tpu.bitcast %select_n3A_58 : vector<64x1xi32> -> vector<64x1xf32>
    %reduce_max3A_60 = arith.constant dense<-2147483648> : vector<64xi32>
    %reduce_max3A_61 = vector.multi_reduction <maxsi>, %select_n3A_42, %reduce_max3A_60 [1] : vector<64x384xi32> to vector<64xi32>
    %broadcast_in_dim3A_62 = vector.shape_cast %reduce_max3A_61 : vector<64xi32> to vector<64x1xi32>
    %eq3A_63 = vector.broadcast %broadcast_in_dim3A_62 : vector<64x1xi32> to vector<64x384xi32>
    %eq3A_64 = arith.cmpi eq, %select_n3A_42, %eq3A_63 : vector<64x384xi32>
    %jit3A_65 = arith.constant -2147483648 : i32
    %broadcast_in_dim3A_66 = vector.broadcast %jit3A_65 : i32 to vector<64x384xi32>
    %select_n3A_67 = arith.select %eq3A_64, %broadcast_in_dim3A_66, %select_n3A_42 : vector<64x384xi1>, vector<64x384xi32>
    %and3A_68 = arith.constant 32767 : i32
    %and3A_69 = vector.broadcast %and3A_68 : i32 to vector<64x1xi32>
    %and3A_70 = arith.andi %broadcast_in_dim3A_62, %and3A_69 : vector<64x1xi32>
    %sub3A_71 = arith.constant 32767 : i32
    %sub3A_72 = vector.broadcast %sub3A_71 : i32 to vector<64x1xi32>
    %sub3A_73 = arith.subi %sub3A_72, %and3A_70 : vector<64x1xi32>
    %and3A_74 = arith.constant -32768 : i32
    %and3A_75 = vector.broadcast %and3A_74 : i32 to vector<64x1xi32>
    %and3A_76 = arith.andi %broadcast_in_dim3A_62, %and3A_75 : vector<64x1xi32>
    %lt3A_77 = arith.constant 0 : i32
    %lt3A_78 = vector.broadcast %lt3A_77 : i32 to vector<64x1xi32>
    %lt3A_79 = arith.cmpi slt, %and3A_76, %lt3A_78 : vector<64x1xi32>
    %sub3A_80 = arith.constant -2147483648 : i32
    %sub3A_81 = vector.broadcast %sub3A_80 : i32 to vector<64x1xi32>
    %sub3A_82 = arith.subi %sub3A_81, %and3A_76 : vector<64x1xi32>
    %select_n3A_83 = arith.select %lt3A_79, %sub3A_82, %and3A_76 : vector<64x1xi1>, vector<64x1xi32>
    %bitcast_convert_type3A_84 = tpu.bitcast %select_n3A_83 : vector<64x1xi32> -> vector<64x1xf32>
    %reduce_max3A_85 = arith.constant dense<-2147483648> : vector<64xi32>
    %reduce_max3A_86 = vector.multi_reduction <maxsi>, %select_n3A_67, %reduce_max3A_85 [1] : vector<64x384xi32> to vector<64xi32>
    %broadcast_in_dim3A_87 = vector.shape_cast %reduce_max3A_86 : vector<64xi32> to vector<64x1xi32>
    %eq3A_88 = vector.broadcast %broadcast_in_dim3A_87 : vector<64x1xi32> to vector<64x384xi32>
    %eq3A_89 = arith.cmpi eq, %select_n3A_67, %eq3A_88 : vector<64x384xi32>
    %jit3A_90 = arith.constant -2147483648 : i32
    %broadcast_in_dim3A_91 = vector.broadcast %jit3A_90 : i32 to vector<64x384xi32>
    %select_n3A_92 = arith.select %eq3A_89, %broadcast_in_dim3A_91, %select_n3A_67 : vector<64x384xi1>, vector<64x384xi32>
    %and3A_93 = arith.constant 32767 : i32
    %and3A_94 = vector.broadcast %and3A_93 : i32 to vector<64x1xi32>
    %and3A_95 = arith.andi %broadcast_in_dim3A_87, %and3A_94 : vector<64x1xi32>
    %sub3A_96 = arith.constant 32767 : i32
    %sub3A_97 = vector.broadcast %sub3A_96 : i32 to vector<64x1xi32>
    %sub3A_98 = arith.subi %sub3A_97, %and3A_95 : vector<64x1xi32>
    %and3A_99 = arith.constant -32768 : i32
    %and3A_100 = vector.broadcast %and3A_99 : i32 to vector<64x1xi32>
    %and3A_101 = arith.andi %broadcast_in_dim3A_87, %and3A_100 : vector<64x1xi32>
    %lt3A_102 = arith.constant 0 : i32
    %lt3A_103 = vector.broadcast %lt3A_102 : i32 to vector<64x1xi32>
    %lt3A_104 = arith.cmpi slt, %and3A_101, %lt3A_103 : vector<64x1xi32>
    %sub3A_105 = arith.constant -2147483648 : i32
    %sub3A_106 = vector.broadcast %sub3A_105 : i32 to vector<64x1xi32>
    %sub3A_107 = arith.subi %sub3A_106, %and3A_101 : vector<64x1xi32>
    %select_n3A_108 = arith.select %lt3A_104, %sub3A_107, %and3A_101 : vector<64x1xi1>, vector<64x1xi32>
    %bitcast_convert_type3A_109 = tpu.bitcast %select_n3A_108 : vector<64x1xi32> -> vector<64x1xf32>
    %reduce_max3A_110 = arith.constant dense<-2147483648> : vector<64xi32>
    %reduce_max3A_111 = vector.multi_reduction <maxsi>, %select_n3A_92, %reduce_max3A_110 [1] : vector<64x384xi32> to vector<64xi32>
    %broadcast_in_dim3A_112 = vector.shape_cast %reduce_max3A_111 : vector<64xi32> to vector<64x1xi32>
    %eq3A_113 = vector.broadcast %broadcast_in_dim3A_112 : vector<64x1xi32> to vector<64x384xi32>
    %eq3A_114 = arith.cmpi eq, %select_n3A_92, %eq3A_113 : vector<64x384xi32>
    %jit3A_115 = arith.constant -2147483648 : i32
    %broadcast_in_dim3A_116 = vector.broadcast %jit3A_115 : i32 to vector<64x384xi32>
    %select_n3A_117 = arith.select %eq3A_114, %broadcast_in_dim3A_116, %select_n3A_92 : vector<64x384xi1>, vector<64x384xi32>
    %and3A_118 = arith.constant 32767 : i32
    %and3A_119 = vector.broadcast %and3A_118 : i32 to vector<64x1xi32>
    %and3A_120 = arith.andi %broadcast_in_dim3A_112, %and3A_119 : vector<64x1xi32>
    %sub3A_121 = arith.constant 32767 : i32
    %sub3A_122 = vector.broadcast %sub3A_121 : i32 to vector<64x1xi32>
    %sub3A_123 = arith.subi %sub3A_122, %and3A_120 : vector<64x1xi32>
    %and3A_124 = arith.constant -32768 : i32
    %and3A_125 = vector.broadcast %and3A_124 : i32 to vector<64x1xi32>
    %and3A_126 = arith.andi %broadcast_in_dim3A_112, %and3A_125 : vector<64x1xi32>
    %lt3A_127 = arith.constant 0 : i32
    %lt3A_128 = vector.broadcast %lt3A_127 : i32 to vector<64x1xi32>
    %lt3A_129 = arith.cmpi slt, %and3A_126, %lt3A_128 : vector<64x1xi32>
    %sub3A_130 = arith.constant -2147483648 : i32
    %sub3A_131 = vector.broadcast %sub3A_130 : i32 to vector<64x1xi32>
    %sub3A_132 = arith.subi %sub3A_131, %and3A_126 : vector<64x1xi32>
    %select_n3A_133 = arith.select %lt3A_129, %sub3A_132, %and3A_126 : vector<64x1xi1>, vector<64x1xi32>
    %bitcast_convert_type3A_134 = tpu.bitcast %select_n3A_133 : vector<64x1xi32> -> vector<64x1xf32>
    %reduce_max3A_135 = arith.constant dense<-2147483648> : vector<64xi32>
    %reduce_max3A_136 = vector.multi_reduction <maxsi>, %select_n3A_117, %reduce_max3A_135 [1] : vector<64x384xi32> to vector<64xi32>
    %broadcast_in_dim3A_137 = vector.shape_cast %reduce_max3A_136 : vector<64xi32> to vector<64x1xi32>
    %eq3A_138 = vector.broadcast %broadcast_in_dim3A_137 : vector<64x1xi32> to vector<64x384xi32>
    %eq3A_139 = arith.cmpi eq, %select_n3A_117, %eq3A_138 : vector<64x384xi32>
    %jit3A_140 = arith.constant -2147483648 : i32
    %broadcast_in_dim3A_141 = vector.broadcast %jit3A_140 : i32 to vector<64x384xi32>
    %select_n3A_142 = arith.select %eq3A_139, %broadcast_in_dim3A_141, %select_n3A_117 : vector<64x384xi1>, vector<64x384xi32>
    %and3A_143 = arith.constant 32767 : i32
    %and3A_144 = vector.broadcast %and3A_143 : i32 to vector<64x1xi32>
    %and3A_145 = arith.andi %broadcast_in_dim3A_137, %and3A_144 : vector<64x1xi32>
    %sub3A_146 = arith.constant 32767 : i32
    %sub3A_147 = vector.broadcast %sub3A_146 : i32 to vector<64x1xi32>
    %sub3A_148 = arith.subi %sub3A_147, %and3A_145 : vector<64x1xi32>
    %and3A_149 = arith.constant -32768 : i32
    %and3A_150 = vector.broadcast %and3A_149 : i32 to vector<64x1xi32>
    %and3A_151 = arith.andi %broadcast_in_dim3A_137, %and3A_150 : vector<64x1xi32>
    %lt3A_152 = arith.constant 0 : i32
    %lt3A_153 = vector.broadcast %lt3A_152 : i32 to vector<64x1xi32>
    %lt3A_154 = arith.cmpi slt, %and3A_151, %lt3A_153 : vector<64x1xi32>
    %sub3A_155 = arith.constant -2147483648 : i32
    %sub3A_156 = vector.broadcast %sub3A_155 : i32 to vector<64x1xi32>
    %sub3A_157 = arith.subi %sub3A_156, %and3A_151 : vector<64x1xi32>
    %select_n3A_158 = arith.select %lt3A_154, %sub3A_157, %and3A_151 : vector<64x1xi1>, vector<64x1xi32>
    %bitcast_convert_type3A_159 = tpu.bitcast %select_n3A_158 : vector<64x1xi32> -> vector<64x1xf32>
    %reduce_max3A_160 = arith.constant dense<-2147483648> : vector<64xi32>
    %reduce_max3A_161 = vector.multi_reduction <maxsi>, %select_n3A_142, %reduce_max3A_160 [1] : vector<64x384xi32> to vector<64xi32>
    %broadcast_in_dim3A_162 = vector.shape_cast %reduce_max3A_161 : vector<64xi32> to vector<64x1xi32>
    %eq3A_163 = vector.broadcast %broadcast_in_dim3A_162 : vector<64x1xi32> to vector<64x384xi32>
    %eq3A_164 = arith.cmpi eq, %select_n3A_142, %eq3A_163 : vector<64x384xi32>
    %jit3A_165 = arith.constant -2147483648 : i32
    %broadcast_in_dim3A_166 = vector.broadcast %jit3A_165 : i32 to vector<64x384xi32>
    %select_n3A_167 = arith.select %eq3A_164, %broadcast_in_dim3A_166, %select_n3A_142 : vector<64x384xi1>, vector<64x384xi32>
    %and3A_168 = arith.constant 32767 : i32
    %and3A_169 = vector.broadcast %and3A_168 : i32 to vector<64x1xi32>
    %and3A_170 = arith.andi %broadcast_in_dim3A_162, %and3A_169 : vector<64x1xi32>
    %sub3A_171 = arith.constant 32767 : i32
    %sub3A_172 = vector.broadcast %sub3A_171 : i32 to vector<64x1xi32>
    %sub3A_173 = arith.subi %sub3A_172, %and3A_170 : vector<64x1xi32>
    %and3A_174 = arith.constant -32768 : i32
    %and3A_175 = vector.broadcast %and3A_174 : i32 to vector<64x1xi32>
    %and3A_176 = arith.andi %broadcast_in_dim3A_162, %and3A_175 : vector<64x1xi32>
    %lt3A_177 = arith.constant 0 : i32
    %lt3A_178 = vector.broadcast %lt3A_177 : i32 to vector<64x1xi32>
    %lt3A_179 = arith.cmpi slt, %and3A_176, %lt3A_178 : vector<64x1xi32>
    %sub3A_180 = arith.constant -2147483648 : i32
    %sub3A_181 = vector.broadcast %sub3A_180 : i32 to vector<64x1xi32>
    %sub3A_182 = arith.subi %sub3A_181, %and3A_176 : vector<64x1xi32>
    %select_n3A_183 = arith.select %lt3A_179, %sub3A_182, %and3A_176 : vector<64x1xi1>, vector<64x1xi32>
    %bitcast_convert_type3A_184 = tpu.bitcast %select_n3A_183 : vector<64x1xi32> -> vector<64x1xf32>
    %reduce_max3A_185 = arith.constant dense<-2147483648> : vector<64xi32>
    %reduce_max3A_186 = vector.multi_reduction <maxsi>, %select_n3A_167, %reduce_max3A_185 [1] : vector<64x384xi32> to vector<64xi32>
    %broadcast_in_dim3A_187 = vector.shape_cast %reduce_max3A_186 : vector<64xi32> to vector<64x1xi32>
    %eq3A_188 = vector.broadcast %broadcast_in_dim3A_187 : vector<64x1xi32> to vector<64x384xi32>
    %eq3A_189 = arith.cmpi eq, %select_n3A_167, %eq3A_188 : vector<64x384xi32>
    %jit3A_190 = arith.constant -2147483648 : i32
    %broadcast_in_dim3A_191 = vector.broadcast %jit3A_190 : i32 to vector<64x384xi32>
    %select_n3A_192 = arith.select %eq3A_189, %broadcast_in_dim3A_191, %select_n3A_167 : vector<64x384xi1>, vector<64x384xi32>
    %and3A_193 = arith.constant 32767 : i32
    %and3A_194 = vector.broadcast %and3A_193 : i32 to vector<64x1xi32>
    %and3A_195 = arith.andi %broadcast_in_dim3A_187, %and3A_194 : vector<64x1xi32>
    %sub3A_196 = arith.constant 32767 : i32
    %sub3A_197 = vector.broadcast %sub3A_196 : i32 to vector<64x1xi32>
    %sub3A_198 = arith.subi %sub3A_197, %and3A_195 : vector<64x1xi32>
    %and3A_199 = arith.constant -32768 : i32
    %and3A_200 = vector.broadcast %and3A_199 : i32 to vector<64x1xi32>
    %and3A_201 = arith.andi %broadcast_in_dim3A_187, %and3A_200 : vector<64x1xi32>
    %lt3A_202 = arith.constant 0 : i32
    %lt3A_203 = vector.broadcast %lt3A_202 : i32 to vector<64x1xi32>
    %lt3A_204 = arith.cmpi slt, %and3A_201, %lt3A_203 : vector<64x1xi32>
    %sub3A_205 = arith.constant -2147483648 : i32
    %sub3A_206 = vector.broadcast %sub3A_205 : i32 to vector<64x1xi32>
    %sub3A_207 = arith.subi %sub3A_206, %and3A_201 : vector<64x1xi32>
    %select_n3A_208 = arith.select %lt3A_204, %sub3A_207, %and3A_201 : vector<64x1xi1>, vector<64x1xi32>
    %bitcast_convert_type3A_209 = tpu.bitcast %select_n3A_208 : vector<64x1xi32> -> vector<64x1xf32>
    %reduce_max3A_210 = arith.constant dense<-2147483648> : vector<64xi32>
    %reduce_max3A_211 = vector.multi_reduction <maxsi>, %select_n3A_192, %reduce_max3A_210 [1] : vector<64x384xi32> to vector<64xi32>
    %broadcast_in_dim3A_212 = vector.shape_cast %reduce_max3A_211 : vector<64xi32> to vector<64x1xi32>
    %eq3A_213 = vector.broadcast %broadcast_in_dim3A_212 : vector<64x1xi32> to vector<64x384xi32>
    %eq3A_214 = arith.cmpi eq, %select_n3A_192, %eq3A_213 : vector<64x384xi32>
    %jit3A_215 = arith.constant -2147483648 : i32
    %broadcast_in_dim3A_216 = vector.broadcast %jit3A_215 : i32 to vector<64x384xi32>
    %select_n3A_217 = arith.select %eq3A_214, %broadcast_in_dim3A_216, %select_n3A_192 : vector<64x384xi1>, vector<64x384xi32>
    %and3A_218 = arith.constant 32767 : i32
    %and3A_219 = vector.broadcast %and3A_218 : i32 to vector<64x1xi32>
    %and3A_220 = arith.andi %broadcast_in_dim3A_212, %and3A_219 : vector<64x1xi32>
    %sub3A_221 = arith.constant 32767 : i32
    %sub3A_222 = vector.broadcast %sub3A_221 : i32 to vector<64x1xi32>
    %sub3A_223 = arith.subi %sub3A_222, %and3A_220 : vector<64x1xi32>
    %and3A_224 = arith.constant -32768 : i32
    %and3A_225 = vector.broadcast %and3A_224 : i32 to vector<64x1xi32>
    %and3A_226 = arith.andi %broadcast_in_dim3A_212, %and3A_225 : vector<64x1xi32>
    %lt3A_227 = arith.constant 0 : i32
    %lt3A_228 = vector.broadcast %lt3A_227 : i32 to vector<64x1xi32>
    %lt3A_229 = arith.cmpi slt, %and3A_226, %lt3A_228 : vector<64x1xi32>
    %sub3A_230 = arith.constant -2147483648 : i32
    %sub3A_231 = vector.broadcast %sub3A_230 : i32 to vector<64x1xi32>
    %sub3A_232 = arith.subi %sub3A_231, %and3A_226 : vector<64x1xi32>
    %select_n3A_233 = arith.select %lt3A_229, %sub3A_232, %and3A_226 : vector<64x1xi1>, vector<64x1xi32>
    %bitcast_convert_type3A_234 = tpu.bitcast %select_n3A_233 : vector<64x1xi32> -> vector<64x1xf32>
    %reduce_max3A_235 = arith.constant dense<-2147483648> : vector<64xi32>
    %reduce_max3A_236 = vector.multi_reduction <maxsi>, %select_n3A_217, %reduce_max3A_235 [1] : vector<64x384xi32> to vector<64xi32>
    %broadcast_in_dim3A_237 = vector.shape_cast %reduce_max3A_236 : vector<64xi32> to vector<64x1xi32>
    %eq3A_238 = vector.broadcast %broadcast_in_dim3A_237 : vector<64x1xi32> to vector<64x384xi32>
    %eq3A_239 = arith.cmpi eq, %select_n3A_217, %eq3A_238 : vector<64x384xi32>
    %jit3A_240 = arith.constant -2147483648 : i32
    %broadcast_in_dim3A_241 = vector.broadcast %jit3A_240 : i32 to vector<64x384xi32>
    %select_n3A_242 = arith.select %eq3A_239, %broadcast_in_dim3A_241, %select_n3A_217 : vector<64x384xi1>, vector<64x384xi32>
    %and3A_243 = arith.constant 32767 : i32
    %and3A_244 = vector.broadcast %and3A_243 : i32 to vector<64x1xi32>
    %and3A_245 = arith.andi %broadcast_in_dim3A_237, %and3A_244 : vector<64x1xi32>
    %sub3A_246 = arith.constant 32767 : i32
    %sub3A_247 = vector.broadcast %sub3A_246 : i32 to vector<64x1xi32>
    %sub3A_248 = arith.subi %sub3A_247, %and3A_245 : vector<64x1xi32>
    %and3A_249 = arith.constant -32768 : i32
    %and3A_250 = vector.broadcast %and3A_249 : i32 to vector<64x1xi32>
    %and3A_251 = arith.andi %broadcast_in_dim3A_237, %and3A_250 : vector<64x1xi32>
    %lt3A_252 = arith.constant 0 : i32
    %lt3A_253 = vector.broadcast %lt3A_252 : i32 to vector<64x1xi32>
    %lt3A_254 = arith.cmpi slt, %and3A_251, %lt3A_253 : vector<64x1xi32>
    %sub3A_255 = arith.constant -2147483648 : i32
    %sub3A_256 = vector.broadcast %sub3A_255 : i32 to vector<64x1xi32>
    %sub3A_257 = arith.subi %sub3A_256, %and3A_251 : vector<64x1xi32>
    %select_n3A_258 = arith.select %lt3A_254, %sub3A_257, %and3A_251 : vector<64x1xi1>, vector<64x1xi32>
    %bitcast_convert_type3A_259 = tpu.bitcast %select_n3A_258 : vector<64x1xi32> -> vector<64x1xf32>
    %reduce_max3A_260 = arith.constant dense<-2147483648> : vector<64xi32>
    %reduce_max3A_261 = vector.multi_reduction <maxsi>, %select_n3A_242, %reduce_max3A_260 [1] : vector<64x384xi32> to vector<64xi32>
    %broadcast_in_dim3A_262 = vector.shape_cast %reduce_max3A_261 : vector<64xi32> to vector<64x1xi32>
    %eq3A_263 = vector.broadcast %broadcast_in_dim3A_262 : vector<64x1xi32> to vector<64x384xi32>
    %eq3A_264 = arith.cmpi eq, %select_n3A_242, %eq3A_263 : vector<64x384xi32>
    %jit3A_265 = arith.constant -2147483648 : i32
    %broadcast_in_dim3A_266 = vector.broadcast %jit3A_265 : i32 to vector<64x384xi32>
    %select_n3A_267 = arith.select %eq3A_264, %broadcast_in_dim3A_266, %select_n3A_242 : vector<64x384xi1>, vector<64x384xi32>
    %and3A_268 = arith.constant 32767 : i32
    %and3A_269 = vector.broadcast %and3A_268 : i32 to vector<64x1xi32>
    %and3A_270 = arith.andi %broadcast_in_dim3A_262, %and3A_269 : vector<64x1xi32>
    %sub3A_271 = arith.constant 32767 : i32
    %sub3A_272 = vector.broadcast %sub3A_271 : i32 to vector<64x1xi32>
    %sub3A_273 = arith.subi %sub3A_272, %and3A_270 : vector<64x1xi32>
    %and3A_274 = arith.constant -32768 : i32
    %and3A_275 = vector.broadcast %and3A_274 : i32 to vector<64x1xi32>
    %and3A_276 = arith.andi %broadcast_in_dim3A_262, %and3A_275 : vector<64x1xi32>
    %lt3A_277 = arith.constant 0 : i32
    %lt3A_278 = vector.broadcast %lt3A_277 : i32 to vector<64x1xi32>
    %lt3A_279 = arith.cmpi slt, %and3A_276, %lt3A_278 : vector<64x1xi32>
    %sub3A_280 = arith.constant -2147483648 : i32
    %sub3A_281 = vector.broadcast %sub3A_280 : i32 to vector<64x1xi32>
    %sub3A_282 = arith.subi %sub3A_281, %and3A_276 : vector<64x1xi32>
    %select_n3A_283 = arith.select %lt3A_279, %sub3A_282, %and3A_276 : vector<64x1xi1>, vector<64x1xi32>
    %bitcast_convert_type3A_284 = tpu.bitcast %select_n3A_283 : vector<64x1xi32> -> vector<64x1xf32>
    %reduce_max3A_285 = arith.constant dense<-2147483648> : vector<64xi32>
    %reduce_max3A_286 = vector.multi_reduction <maxsi>, %select_n3A_267, %reduce_max3A_285 [1] : vector<64x384xi32> to vector<64xi32>
    %broadcast_in_dim3A_287 = vector.shape_cast %reduce_max3A_286 : vector<64xi32> to vector<64x1xi32>
    %eq3A_288 = vector.broadcast %broadcast_in_dim3A_287 : vector<64x1xi32> to vector<64x384xi32>
    %eq3A_289 = arith.cmpi eq, %select_n3A_267, %eq3A_288 : vector<64x384xi32>
    %jit3A_290 = arith.constant -2147483648 : i32
    %broadcast_in_dim3A_291 = vector.broadcast %jit3A_290 : i32 to vector<64x384xi32>
    %select_n3A_292 = arith.select %eq3A_289, %broadcast_in_dim3A_291, %select_n3A_267 : vector<64x384xi1>, vector<64x384xi32>
    %and3A_293 = arith.constant 32767 : i32
    %and3A_294 = vector.broadcast %and3A_293 : i32 to vector<64x1xi32>
    %and3A_295 = arith.andi %broadcast_in_dim3A_287, %and3A_294 : vector<64x1xi32>
    %sub3A_296 = arith.constant 32767 : i32
    %sub3A_297 = vector.broadcast %sub3A_296 : i32 to vector<64x1xi32>
    %sub3A_298 = arith.subi %sub3A_297, %and3A_295 : vector<64x1xi32>
    %and3A_299 = arith.constant -32768 : i32
    %and3A_300 = vector.broadcast %and3A_299 : i32 to vector<64x1xi32>
    %and3A_301 = arith.andi %broadcast_in_dim3A_287, %and3A_300 : vector<64x1xi32>
    %lt3A_302 = arith.constant 0 : i32
    %lt3A_303 = vector.broadcast %lt3A_302 : i32 to vector<64x1xi32>
    %lt3A_304 = arith.cmpi slt, %and3A_301, %lt3A_303 : vector<64x1xi32>
    %sub3A_305 = arith.constant -2147483648 : i32
    %sub3A_306 = vector.broadcast %sub3A_305 : i32 to vector<64x1xi32>
    %sub3A_307 = arith.subi %sub3A_306, %and3A_301 : vector<64x1xi32>
    %select_n3A_308 = arith.select %lt3A_304, %sub3A_307, %and3A_301 : vector<64x1xi1>, vector<64x1xi32>
    %bitcast_convert_type3A_309 = tpu.bitcast %select_n3A_308 : vector<64x1xi32> -> vector<64x1xf32>
    %reduce_max3A_310 = arith.constant dense<-2147483648> : vector<64xi32>
    %reduce_max3A_311 = vector.multi_reduction <maxsi>, %select_n3A_292, %reduce_max3A_310 [1] : vector<64x384xi32> to vector<64xi32>
    %broadcast_in_dim3A_312 = vector.shape_cast %reduce_max3A_311 : vector<64xi32> to vector<64x1xi32>
    %eq3A_313 = vector.broadcast %broadcast_in_dim3A_312 : vector<64x1xi32> to vector<64x384xi32>
    %eq3A_314 = arith.cmpi eq, %select_n3A_292, %eq3A_313 : vector<64x384xi32>
    %jit3A_315 = arith.constant -2147483648 : i32
    %broadcast_in_dim3A_316 = vector.broadcast %jit3A_315 : i32 to vector<64x384xi32>
    %select_n3A_317 = arith.select %eq3A_314, %broadcast_in_dim3A_316, %select_n3A_292 : vector<64x384xi1>, vector<64x384xi32>
    %and3A_318 = arith.constant 32767 : i32
    %and3A_319 = vector.broadcast %and3A_318 : i32 to vector<64x1xi32>
    %and3A_320 = arith.andi %broadcast_in_dim3A_312, %and3A_319 : vector<64x1xi32>
    %sub3A_321 = arith.constant 32767 : i32
    %sub3A_322 = vector.broadcast %sub3A_321 : i32 to vector<64x1xi32>
    %sub3A_323 = arith.subi %sub3A_322, %and3A_320 : vector<64x1xi32>
    %and3A_324 = arith.constant -32768 : i32
    %and3A_325 = vector.broadcast %and3A_324 : i32 to vector<64x1xi32>
    %and3A_326 = arith.andi %broadcast_in_dim3A_312, %and3A_325 : vector<64x1xi32>
    %lt3A_327 = arith.constant 0 : i32
    %lt3A_328 = vector.broadcast %lt3A_327 : i32 to vector<64x1xi32>
    %lt3A_329 = arith.cmpi slt, %and3A_326, %lt3A_328 : vector<64x1xi32>
    %sub3A_330 = arith.constant -2147483648 : i32
    %sub3A_331 = vector.broadcast %sub3A_330 : i32 to vector<64x1xi32>
    %sub3A_332 = arith.subi %sub3A_331, %and3A_326 : vector<64x1xi32>
    %select_n3A_333 = arith.select %lt3A_329, %sub3A_332, %and3A_326 : vector<64x1xi1>, vector<64x1xi32>
    %bitcast_convert_type3A_334 = tpu.bitcast %select_n3A_333 : vector<64x1xi32> -> vector<64x1xf32>
    %reduce_max3A_335 = arith.constant dense<-2147483648> : vector<64xi32>
    %reduce_max3A_336 = vector.multi_reduction <maxsi>, %select_n3A_317, %reduce_max3A_335 [1] : vector<64x384xi32> to vector<64xi32>
    %broadcast_in_dim3A_337 = vector.shape_cast %reduce_max3A_336 : vector<64xi32> to vector<64x1xi32>
    %eq3A_338 = vector.broadcast %broadcast_in_dim3A_337 : vector<64x1xi32> to vector<64x384xi32>
    %eq3A_339 = arith.cmpi eq, %select_n3A_317, %eq3A_338 : vector<64x384xi32>
    %jit3A_340 = arith.constant -2147483648 : i32
    %broadcast_in_dim3A_341 = vector.broadcast %jit3A_340 : i32 to vector<64x384xi32>
    %select_n3A_342 = arith.select %eq3A_339, %broadcast_in_dim3A_341, %select_n3A_317 : vector<64x384xi1>, vector<64x384xi32>
    %and3A_343 = arith.constant 32767 : i32
    %and3A_344 = vector.broadcast %and3A_343 : i32 to vector<64x1xi32>
    %and3A_345 = arith.andi %broadcast_in_dim3A_337, %and3A_344 : vector<64x1xi32>
    %sub3A_346 = arith.constant 32767 : i32
    %sub3A_347 = vector.broadcast %sub3A_346 : i32 to vector<64x1xi32>
    %sub3A_348 = arith.subi %sub3A_347, %and3A_345 : vector<64x1xi32>
    %and3A_349 = arith.constant -32768 : i32
    %and3A_350 = vector.broadcast %and3A_349 : i32 to vector<64x1xi32>
    %and3A_351 = arith.andi %broadcast_in_dim3A_337, %and3A_350 : vector<64x1xi32>
    %lt3A_352 = arith.constant 0 : i32
    %lt3A_353 = vector.broadcast %lt3A_352 : i32 to vector<64x1xi32>
    %lt3A_354 = arith.cmpi slt, %and3A_351, %lt3A_353 : vector<64x1xi32>
    %sub3A_355 = arith.constant -2147483648 : i32
    %sub3A_356 = vector.broadcast %sub3A_355 : i32 to vector<64x1xi32>
    %sub3A_357 = arith.subi %sub3A_356, %and3A_351 : vector<64x1xi32>
    %select_n3A_358 = arith.select %lt3A_354, %sub3A_357, %and3A_351 : vector<64x1xi1>, vector<64x1xi32>
    %bitcast_convert_type3A_359 = tpu.bitcast %select_n3A_358 : vector<64x1xi32> -> vector<64x1xf32>
    %reduce_max3A_360 = arith.constant dense<-2147483648> : vector<64xi32>
    %reduce_max3A_361 = vector.multi_reduction <maxsi>, %select_n3A_342, %reduce_max3A_360 [1] : vector<64x384xi32> to vector<64xi32>
    %broadcast_in_dim3A_362 = vector.shape_cast %reduce_max3A_361 : vector<64xi32> to vector<64x1xi32>
    %eq3A_363 = vector.broadcast %broadcast_in_dim3A_362 : vector<64x1xi32> to vector<64x384xi32>
    %eq3A_364 = arith.cmpi eq, %select_n3A_342, %eq3A_363 : vector<64x384xi32>
    %jit3A_365 = arith.constant -2147483648 : i32
    %broadcast_in_dim3A_366 = vector.broadcast %jit3A_365 : i32 to vector<64x384xi32>
    %select_n3A_367 = arith.select %eq3A_364, %broadcast_in_dim3A_366, %select_n3A_342 : vector<64x384xi1>, vector<64x384xi32>
    %and3A_368 = arith.constant 32767 : i32
    %and3A_369 = vector.broadcast %and3A_368 : i32 to vector<64x1xi32>
    %and3A_370 = arith.andi %broadcast_in_dim3A_362, %and3A_369 : vector<64x1xi32>
    %sub3A_371 = arith.constant 32767 : i32
    %sub3A_372 = vector.broadcast %sub3A_371 : i32 to vector<64x1xi32>
    %sub3A_373 = arith.subi %sub3A_372, %and3A_370 : vector<64x1xi32>
    %and3A_374 = arith.constant -32768 : i32
    %and3A_375 = vector.broadcast %and3A_374 : i32 to vector<64x1xi32>
    %and3A_376 = arith.andi %broadcast_in_dim3A_362, %and3A_375 : vector<64x1xi32>
    %lt3A_377 = arith.constant 0 : i32
    %lt3A_378 = vector.broadcast %lt3A_377 : i32 to vector<64x1xi32>
    %lt3A_379 = arith.cmpi slt, %and3A_376, %lt3A_378 : vector<64x1xi32>
    %sub3A_380 = arith.constant -2147483648 : i32
    %sub3A_381 = vector.broadcast %sub3A_380 : i32 to vector<64x1xi32>
    %sub3A_382 = arith.subi %sub3A_381, %and3A_376 : vector<64x1xi32>
    %select_n3A_383 = arith.select %lt3A_379, %sub3A_382, %and3A_376 : vector<64x1xi1>, vector<64x1xi32>
    %bitcast_convert_type3A_384 = tpu.bitcast %select_n3A_383 : vector<64x1xi32> -> vector<64x1xf32>
    %reduce_max3A_385 = arith.constant dense<-2147483648> : vector<64xi32>
    %reduce_max3A_386 = vector.multi_reduction <maxsi>, %select_n3A_367, %reduce_max3A_385 [1] : vector<64x384xi32> to vector<64xi32>
    %broadcast_in_dim3A_387 = vector.shape_cast %reduce_max3A_386 : vector<64xi32> to vector<64x1xi32>
    %eq3A_388 = vector.broadcast %broadcast_in_dim3A_387 : vector<64x1xi32> to vector<64x384xi32>
    %eq3A_389 = arith.cmpi eq, %select_n3A_367, %eq3A_388 : vector<64x384xi32>
    %jit3A_390 = arith.constant -2147483648 : i32
    %broadcast_in_dim3A_391 = vector.broadcast %jit3A_390 : i32 to vector<64x384xi32>
    %select_n3A_392 = arith.select %eq3A_389, %broadcast_in_dim3A_391, %select_n3A_367 : vector<64x384xi1>, vector<64x384xi32>
    %and3A_393 = arith.constant 32767 : i32
    %and3A_394 = vector.broadcast %and3A_393 : i32 to vector<64x1xi32>
    %and3A_395 = arith.andi %broadcast_in_dim3A_387, %and3A_394 : vector<64x1xi32>
    %sub3A_396 = arith.constant 32767 : i32
    %sub3A_397 = vector.broadcast %sub3A_396 : i32 to vector<64x1xi32>
    %sub3A_398 = arith.subi %sub3A_397, %and3A_395 : vector<64x1xi32>
    %and3A_399 = arith.constant -32768 : i32
    %and3A_400 = vector.broadcast %and3A_399 : i32 to vector<64x1xi32>
    %and3A_401 = arith.andi %broadcast_in_dim3A_387, %and3A_400 : vector<64x1xi32>
    %lt3A_402 = arith.constant 0 : i32
    %lt3A_403 = vector.broadcast %lt3A_402 : i32 to vector<64x1xi32>
    %lt3A_404 = arith.cmpi slt, %and3A_401, %lt3A_403 : vector<64x1xi32>
    %sub3A_405 = arith.constant -2147483648 : i32
    %sub3A_406 = vector.broadcast %sub3A_405 : i32 to vector<64x1xi32>
    %sub3A_407 = arith.subi %sub3A_406, %and3A_401 : vector<64x1xi32>
    %select_n3A_408 = arith.select %lt3A_404, %sub3A_407, %and3A_401 : vector<64x1xi1>, vector<64x1xi32>
    %bitcast_convert_type3A_409 = tpu.bitcast %select_n3A_408 : vector<64x1xi32> -> vector<64x1xf32>
    %reduce_max3A_410 = arith.constant dense<-2147483648> : vector<64xi32>
    %reduce_max3A_411 = vector.multi_reduction <maxsi>, %select_n3A_392, %reduce_max3A_410 [1] : vector<64x384xi32> to vector<64xi32>
    %broadcast_in_dim3A_412 = vector.shape_cast %reduce_max3A_411 : vector<64xi32> to vector<64x1xi32>
    %and3A_413 = arith.constant 32767 : i32
    %and3A_414 = vector.broadcast %and3A_413 : i32 to vector<64x1xi32>
    %and3A_415 = arith.andi %broadcast_in_dim3A_412, %and3A_414 : vector<64x1xi32>
    %sub3A_416 = arith.constant 32767 : i32
    %sub3A_417 = vector.broadcast %sub3A_416 : i32 to vector<64x1xi32>
    %sub3A_418 = arith.subi %sub3A_417, %and3A_415 : vector<64x1xi32>
    %and3A_419 = arith.constant -32768 : i32
    %and3A_420 = vector.broadcast %and3A_419 : i32 to vector<64x1xi32>
    %and3A_421 = arith.andi %broadcast_in_dim3A_412, %and3A_420 : vector<64x1xi32>
    %lt3A_422 = arith.constant 0 : i32
    %lt3A_423 = vector.broadcast %lt3A_422 : i32 to vector<64x1xi32>
    %lt3A_424 = arith.cmpi slt, %and3A_421, %lt3A_423 : vector<64x1xi32>
    %sub3A_425 = arith.constant -2147483648 : i32
    %sub3A_426 = vector.broadcast %sub3A_425 : i32 to vector<64x1xi32>
    %sub3A_427 = arith.subi %sub3A_426, %and3A_421 : vector<64x1xi32>
    %select_n3A_428 = arith.select %lt3A_424, %sub3A_427, %and3A_421 : vector<64x1xi1>, vector<64x1xi32>
    %bitcast_convert_type3A_429 = tpu.bitcast %select_n3A_428 : vector<64x1xi32> -> vector<64x1xf32>
    %concatenate3A_430 = tpu.concatenate %bitcast_convert_type3A_59, %bitcast_convert_type3A_84, %bitcast_convert_type3A_109, %bitcast_convert_type3A_134, %bitcast_convert_type3A_159, %bitcast_convert_type3A_184, %bitcast_convert_type3A_209, %bitcast_convert_type3A_234, %bitcast_convert_type3A_259, %bitcast_convert_type3A_284, %bitcast_convert_type3A_309, %bitcast_convert_type3A_334, %bitcast_convert_type3A_359, %bitcast_convert_type3A_384, %bitcast_convert_type3A_409, %bitcast_convert_type3A_429 in 1 : vector<64x1xf32>, vector<64x1xf32>, vector<64x1xf32>, vector<64x1xf32>, vector<64x1xf32>, vector<64x1xf32>, vector<64x1xf32>, vector<64x1xf32>, vector<64x1xf32>, vector<64x1xf32>, vector<64x1xf32>, vector<64x1xf32>, vector<64x1xf32>, vector<64x1xf32>, vector<64x1xf32>, vector<64x1xf32> -> vector<64x16xf32>
    %concatenate3A_431 = tpu.concatenate %sub3A_48, %sub3A_73, %sub3A_98, %sub3A_123, %sub3A_148, %sub3A_173, %sub3A_198, %sub3A_223, %sub3A_248, %sub3A_273, %sub3A_298, %sub3A_323, %sub3A_348, %sub3A_373, %sub3A_398, %sub3A_418 in 1 : vector<64x1xi32>, vector<64x1xi32>, vector<64x1xi32>, vector<64x1xi32>, vector<64x1xi32>, vector<64x1xi32>, vector<64x1xi32>, vector<64x1xi32>, vector<64x1xi32>, vector<64x1xi32>, vector<64x1xi32>, vector<64x1xi32>, vector<64x1xi32>, vector<64x1xi32>, vector<64x1xi32>, vector<64x1xi32> -> vector<64x16xi32>
    %sub3A_432 = vector.broadcast %bitcast_convert_type3A_59 : vector<64x1xf32> to vector<64x32000xf32>
    %sub3A_433 = arith.subf %get3A_1, %sub3A_432 : vector<64x32000xf32>
    %exp3A = math.exp %sub3A_433 : vector<64x32000xf32>
    %reduce_sum3A_434 = arith.constant dense<0.000000e+00> : vector<64xf32>
    %reduce_sum3A_435 = vector.multi_reduction <add>, %exp3A, %reduce_sum3A_434 [1] : vector<64x32000xf32> to vector<64xf32>
    %broadcast_in_dim3A_436 = vector.shape_cast %reduce_sum3A_435 : vector<64xf32> to vector<64x1xf32>
    %log3A = math.log %broadcast_in_dim3A_436 : vector<64x1xf32>
    %add3A = arith.addf %bitcast_convert_type3A_59, %log3A : vector<64x1xf32>
    %swap3A = arith.constant 0 : index
    %swap3A_437 = arith.constant 0 : index
    %swap3A_438 = vector.load %arg6[%swap3A, %swap3A_437] : memref<64x1xf32, #tpu.memory_space<vmem>>, vector<64x1xf32>
    tpu.vector_store %arg6[%swap3A, %swap3A_437], %add3A {strides = array<i32>} : memref<64x1xf32, #tpu.memory_space<vmem>>, vector<64x1xf32>,
    %concatenate3A_439 = tpu.concatenate %concatenate3A_430, %broadcast_in_dim3A_7 in 1 : vector<64x16xf32>, vector<64x1xf32> -> vector<64x17xf32>
    %swap3A_440 = arith.constant 0 : index
    %swap3A_441 = arith.constant 0 : index
    %swap3A_442 = vector.load %arg3[%swap3A_440, %swap3A_441] : memref<64x17xf32, #tpu.memory_space<vmem>>, vector<64x17xf32>
    tpu.vector_store %arg3[%swap3A_440, %swap3A_441], %concatenate3A_439 {strides = array<i32>} : memref<64x17xf32, #tpu.memory_space<vmem>>, vector<64x17xf32>,
    %concatenate3A_443 = tpu.concatenate %concatenate3A_431, %get3A_4 in 1 : vector<64x16xi32>, vector<64x1xi32> -> vector<64x17xi32>
    %swap3A_444 = arith.constant 0 : index
    %swap3A_445 = arith.constant 0 : index
    %swap3A_446 = vector.load %arg4[%swap3A_444, %swap3A_445] : memref<64x17xi32, #tpu.memory_space<vmem>>, vector<64x17xi32>
    tpu.vector_store %arg4[%swap3A_444, %swap3A_445], %concatenate3A_443 {strides = array<i32>} : memref<64x17xi32, #tpu.memory_space<vmem>>, vector<64x17xi32>,
    %eq3A_447 = vector.broadcast %get3A_4 : vector<64x1xi32> to vector<64x16xi32>
    %eq3A_448 = arith.cmpi eq, %concatenate3A_431, %eq3A_447 : vector<64x16xi32>
    %reduce_or3A = arith.constant 1.000000e+00 : f32
    %reduce_or3A_449 = arith.constant 0.000000e+00 : f32
    %reduce_or3A_450 = vector.broadcast %reduce_or3A : f32 to vector<64x16xf32>
    %reduce_or3A_451 = vector.broadcast %reduce_or3A_449 : f32 to vector<64x16xf32>
    %reduce_or3A_452 = arith.select %eq3A_448, %reduce_or3A_450, %reduce_or3A_451 : vector<64x16xi1>, vector<64x16xf32>
    %reduce_or3A_453 = arith.constant dense<0xFF800000> : vector<64xf32>
    %reduce_or3A_454 = vector.multi_reduction <maximumf>, %reduce_or3A_452, %reduce_or3A_453 [1] : vector<64x16xf32> to vector<64xf32>
    %reduce_or3A_455 = arith.constant 0.000000e+00 : f32
    %reduce_or3A_456 = vector.broadcast %reduce_or3A_455 : f32 to vector<64xf32>
    %reduce_or3A_457 = arith.cmpf ogt, %reduce_or3A_454, %reduce_or3A_456 : vector<64xf32>
    %broadcast_in_dim3A_458 = vector.shape_cast %reduce_or3A_457 : vector<64xi1> to vector<64x1xi1>
    %broadcast_in_dim3A_459 = arith.constant 1.000000e+00 : f32
    %broadcast_in_dim3A_460 = vector.broadcast %broadcast_in_dim3A_459 : f32 to vector<64x16xf32>
    %jit3A_461 = arith.constant 0.000000e+00 : f32
    %jit3A_462 = arith.constant 1.000000e+00 : f32
    %broadcast_in_dim3A_463 = vector.broadcast %jit3A_461 : f32 to vector<64x1xf32>
    %broadcast_in_dim3A_464 = vector.broadcast %jit3A_462 : f32 to vector<64x1xf32>
    %select_n3A_465 = arith.select %broadcast_in_dim3A_458, %broadcast_in_dim3A_463, %broadcast_in_dim3A_464 : vector<64x1xi1>, vector<64x1xf32>
    %concatenate3A_466 = tpu.concatenate %broadcast_in_dim3A_460, %select_n3A_465 in 1 : vector<64x16xf32>, vector<64x1xf32> -> vector<64x17xf32>
    %swap3A_467 = arith.constant 0 : index
    %swap3A_468 = arith.constant 0 : index
    %swap3A_469 = vector.load %arg5[%swap3A_467, %swap3A_468] : memref<64x17xf32, #tpu.memory_space<vmem>>, vector<64x17xf32>
    tpu.vector_store %arg5[%swap3A_467, %swap3A_468], %concatenate3A_466 {strides = array<i32>} : memref<64x17xf32, #tpu.memory_space<vmem>>, vector<64x17xf32>,
    return
  }
  func.func @transform_0(%arg0: i32) -> (i32, i32) {
    %c0_i32 = arith.constant 0 : i32
    %c0_i32_0 = arith.constant 0 : i32
    return %arg0, %c0_i32 : i32, i32
  }
  func.func @transform_1(%arg0: i32) -> (i32, i32) {
    %c0_i32 = arith.constant 0 : i32
    %c0_i32_0 = arith.constant 0 : i32
    return %arg0, %c0_i32 : i32, i32
  }
  func.func @transform_2(%arg0: i32) -> (i32, i32) {
    %c0_i32 = arith.constant 0 : i32
    %c0_i32_0 = arith.constant 0 : i32
    return %arg0, %c0_i32 : i32, i32
  }
  func.func @transform_3(%arg0: i32) -> (i32, i32) {
    %c0_i32 = arith.constant 0 : i32
    %c0_i32_0 = arith.constant 0 : i32
    return %arg0, %c0_i32 : i32, i32
  }
  func.func @transform_4(%arg0: i32) -> (i32, i32) {
    %c0_i32 = arith.constant 0 : i32
    %c0_i32_0 = arith.constant 0 : i32
    return %arg0, %c0_i32 : i32, i32
  }
  func.func @transform_5(%arg0: i32) -> (i32, i32) {
    %c0_i32 = arith.constant 0 : i32
    %c0_i32_0 = arith.constant 0 : i32
    return %arg0, %c0_i32 : i32, i32
  }
}

module attributes {stable_mosaic.version = 14 : i64} {
  func.func @_mlp_body(%arg0: i32, %arg1: memref<17x64x1024xf32, #tpu.memory_space<vmem>>, %arg2: memref<64x1024xf32, #tpu.memory_space<vmem>>, %arg3: memref<64x1024xf32, #tpu.memory_space<vmem>>, %arg4: memref<64x17xf32, #tpu.memory_space<vmem>>, %arg5: memref<64x17xf32, #tpu.memory_space<vmem>>, %arg6: memref<64x1xf32, #tpu.memory_space<vmem>>, %arg7: memref<64x1xf32, #tpu.memory_space<vmem>>, %arg8: memref<2048x1024xbf16, #tpu.memory_space<vmem>>, %arg9: memref<2048x1024xbf16, #tpu.memory_space<vmem>>, %arg10: memref<1024x2048xbf16, #tpu.memory_space<vmem>>, %arg11: memref<1x2048xf32, #tpu.memory_space<vmem>>, %arg12: memref<1x1024xf32, #tpu.memory_space<vmem>>, %arg13: memref<1x1024xf32, #tpu.memory_space<vmem>>, %arg14: memref<1x1024xf32, #tpu.memory_space<vmem>>, %arg15: memref<1x1xf32, #tpu.memory_space<vmem>>, %arg16: memref<1x1xf32, #tpu.memory_space<vmem>>) attributes {dimension_semantics = [#tpu.dimension_semantics<arbitrary>], iteration_bounds = array<i64: 32>, scalar_prefetch = 0 : i64, scratch_operands = 0 : i64, tpu.core_type = #tpu.core_type<tc>, window_params = [{transform_indices = @transform_0, window_bounds = array<i64: 17, 64, 1024>}, {transform_indices = @transform_1, window_bounds = array<i64: 64, 1024>}, {transform_indices = @transform_2, window_bounds = array<i64: 64, 1024>}, {transform_indices = @transform_3, window_bounds = array<i64: 64, 17>}, {transform_indices = @transform_4, window_bounds = array<i64: 64, 17>}, {transform_indices = @transform_5, window_bounds = array<i64: 64, 1>}, {transform_indices = @transform_6, window_bounds = array<i64: 64, 1>}, {pipeline_mode = #tpu.pipeline_mode<synchronous>, transform_indices = @transform_7, window_bounds = array<i64: 2048, 1024>}, {pipeline_mode = #tpu.pipeline_mode<synchronous>, transform_indices = @transform_8, window_bounds = array<i64: 2048, 1024>}, {pipeline_mode = #tpu.pipeline_mode<synchronous>, transform_indices = @transform_9, window_bounds = array<i64: 1024, 2048>}, {pipeline_mode = #tpu.pipeline_mode<synchronous>, transform_indices = @transform_10, window_bounds = array<i64: 1, 2048>}, {pipeline_mode = #tpu.pipeline_mode<synchronous>, transform_indices = @transform_11, window_bounds = array<i64: 1, 1024>}, {pipeline_mode = #tpu.pipeline_mode<synchronous>, transform_indices = @transform_12, window_bounds = array<i64: 1, 1024>}, {pipeline_mode = #tpu.pipeline_mode<synchronous>, transform_indices = @transform_13, window_bounds = array<i64: 1, 1024>}, {pipeline_mode = #tpu.pipeline_mode<synchronous>, transform_indices = @transform_14, window_bounds = array<i64: 1, 1>}, {pipeline_mode = #tpu.pipeline_mode<synchronous>, transform_indices = @transform_15, window_bounds = array<i64: 1, 1>}]} {
    %get3A = arith.constant 0 : index
    %get3A_0 = arith.constant 0 : index
    %get3A_1 = arith.constant 0 : index
    %get3A_2 = vector.load %arg1[%get3A, %get3A_0, %get3A_1] : memref<17x64x1024xf32, #tpu.memory_space<vmem>>, vector<17x64x1024xf32>
    %reshape3A = vector.shape_cast %get3A_2 : vector<17x64x1024xf32> to vector<1088x1024xf32>
    %convert_element_type3A = arith.truncf %reshape3A : vector<1088x1024xf32> to vector<1088x1024xbf16>
    %get3A_3 = arith.constant 0 : index
    %get3A_4 = arith.constant 0 : index
    %get3A_5 = vector.load %arg9[%get3A_3, %get3A_4] : memref<2048x1024xbf16, #tpu.memory_space<vmem>>, vector<2048x1024xbf16>
    %dot_general3A = arith.constant dense<0.000000e+00> : vector<1088x2048xf32>
    %dot_general3A_6 = tpu.matmul %convert_element_type3A, %get3A_5, %dot_general3A {dimension_numbers = #tpu.dot_dimension_numbers<[1], [1], [0], [0], [0, 0, 1, 0], [], []>, transpose_lhs_hint = false} : vector<1088x1024xbf16>, vector<2048x1024xbf16>, vector<1088x2048xf32> -> vector<1088x2048xf32>
    %get3A_7 = arith.constant 0 : index
    %get3A_8 = arith.constant 0 : index
    %get3A_9 = vector.load %arg2[%get3A_7, %get3A_8] : memref<64x1024xf32, #tpu.memory_space<vmem>>, vector<64x1024xf32>
    %convert_element_type3A_10 = arith.truncf %get3A_9 : vector<64x1024xf32> to vector<64x1024xbf16>
    %get3A_11 = arith.constant 0 : index
    %get3A_12 = arith.constant 0 : index
    %get3A_13 = vector.load %arg8[%get3A_11, %get3A_12] : memref<2048x1024xbf16, #tpu.memory_space<vmem>>, vector<2048x1024xbf16>
    %dot_general3A_14 = arith.constant dense<0.000000e+00> : vector<64x2048xf32>
    %dot_general3A_15 = tpu.matmul %convert_element_type3A_10, %get3A_13, %dot_general3A_14 {dimension_numbers = #tpu.dot_dimension_numbers<[1], [1], [0], [0], [0, 0, 1, 0], [], []>, transpose_lhs_hint = false} : vector<64x1024xbf16>, vector<2048x1024xbf16>, vector<64x2048xf32> -> vector<64x2048xf32>
    %reshape3A_16 = vector.shape_cast %dot_general3A_6 : vector<1088x2048xf32> to vector<17x64x2048xf32>
    %broadcast_in_dim3A = vector.shape_cast %dot_general3A_15 : vector<64x2048xf32> to vector<1x64x2048xf32>
    %add3A = vector.broadcast %broadcast_in_dim3A : vector<1x64x2048xf32> to vector<17x64x2048xf32>
    %add3A_17 = arith.addf %reshape3A_16, %add3A : vector<17x64x2048xf32>
    %get3A_18 = arith.constant 0 : index
    %get3A_19 = arith.constant 0 : index
    %get3A_20 = vector.load %arg11[%get3A_18, %get3A_19] : memref<1x2048xf32, #tpu.memory_space<vmem>>, vector<1x2048xf32>
    %broadcast_in_dim3A_21 = vector.shape_cast %get3A_20 : vector<1x2048xf32> to vector<1x1x2048xf32>
    %add3A_22 = vector.broadcast %broadcast_in_dim3A_21 : vector<1x1x2048xf32> to vector<17x64x2048xf32>
    %add3A_23 = arith.addf %add3A_17, %add3A_22 : vector<17x64x2048xf32>
    %mul3A = arith.constant 5.000000e-01 : f32
    %mul3A_24 = vector.broadcast %mul3A : f32 to vector<17x64x2048xf32>
    %mul3A_25 = arith.mulf %mul3A_24, %add3A_23 : vector<17x64x2048xf32>
    %mul3A_26 = arith.constant 0.707106769 : f32
    %mul3A_27 = vector.broadcast %mul3A_26 : f32 to vector<17x64x2048xf32>
    %mul3A_28 = arith.mulf %add3A_23, %mul3A_27 : vector<17x64x2048xf32>
    %erf3A = math.erf %mul3A_28 : vector<17x64x2048xf32>
    %add3A_29 = arith.constant 1.000000e+00 : f32
    %add3A_30 = vector.broadcast %add3A_29 : f32 to vector<17x64x2048xf32>
    %add3A_31 = arith.addf %add3A_30, %erf3A : vector<17x64x2048xf32>
    %mul3A_32 = arith.mulf %mul3A_25, %add3A_31 : vector<17x64x2048xf32>
    %reshape3A_33 = vector.shape_cast %mul3A_32 : vector<17x64x2048xf32> to vector<1088x2048xf32>
    %convert_element_type3A_34 = arith.truncf %reshape3A_33 : vector<1088x2048xf32> to vector<1088x2048xbf16>
    %get3A_35 = arith.constant 0 : index
    %get3A_36 = arith.constant 0 : index
    %get3A_37 = vector.load %arg10[%get3A_35, %get3A_36] : memref<1024x2048xbf16, #tpu.memory_space<vmem>>, vector<1024x2048xbf16>
    %dot_general3A_38 = arith.constant dense<0.000000e+00> : vector<1088x1024xf32>
    %dot_general3A_39 = tpu.matmul %convert_element_type3A_34, %get3A_37, %dot_general3A_38 {dimension_numbers = #tpu.dot_dimension_numbers<[1], [1], [0], [0], [0, 0, 1, 0], [], []>, transpose_lhs_hint = false} : vector<1088x2048xbf16>, vector<1024x2048xbf16>, vector<1088x1024xf32> -> vector<1088x1024xf32>
    %get3A_40 = arith.constant 0 : index
    %get3A_41 = arith.constant 0 : index
    %get3A_42 = vector.load %arg12[%get3A_40, %get3A_41] : memref<1x1024xf32, #tpu.memory_space<vmem>>, vector<1x1024xf32>
    %add3A_43 = vector.broadcast %get3A_42 : vector<1x1024xf32> to vector<1088x1024xf32>
    %add3A_44 = arith.addf %dot_general3A_39, %add3A_43 : vector<1088x1024xf32>
    %reduce_sum3A = arith.constant dense<0.000000e+00> : vector<1088xf32>
    %reduce_sum3A_45 = vector.multi_reduction <add>, %add3A_44, %reduce_sum3A [1] : vector<1088x1024xf32> to vector<1088xf32>
    %broadcast_in_dim3A_46 = vector.shape_cast %reduce_sum3A_45 : vector<1088xf32> to vector<1088x1xf32>
    %div3A = arith.constant 1.024000e+03 : f32
    %div3A_47 = vector.broadcast %div3A : f32 to vector<1088x1xf32>
    %div3A_48 = arith.divf %broadcast_in_dim3A_46, %div3A_47 : vector<1088x1xf32>
    %sub3A = vector.broadcast %div3A_48 : vector<1088x1xf32> to vector<1088x1024xf32>
    %sub3A_49 = arith.subf %add3A_44, %sub3A : vector<1088x1024xf32>
    %integer_pow3A = arith.mulf %sub3A_49, %sub3A_49 : vector<1088x1024xf32>
    %reduce_sum3A_50 = arith.constant dense<0.000000e+00> : vector<1088xf32>
    %reduce_sum3A_51 = vector.multi_reduction <add>, %integer_pow3A, %reduce_sum3A_50 [1] : vector<1088x1024xf32> to vector<1088xf32>
    %broadcast_in_dim3A_52 = vector.shape_cast %reduce_sum3A_51 : vector<1088xf32> to vector<1088x1xf32>
    %div3A_53 = arith.constant 1.024000e+03 : f32
    %div3A_54 = vector.broadcast %div3A_53 : f32 to vector<1088x1xf32>
    %div3A_55 = arith.divf %broadcast_in_dim3A_52, %div3A_54 : vector<1088x1xf32>
    %sub3A_56 = vector.broadcast %div3A_48 : vector<1088x1xf32> to vector<1088x1024xf32>
    %sub3A_57 = arith.subf %add3A_44, %sub3A_56 : vector<1088x1024xf32>
    %add3A_58 = arith.constant 9.99999974E-6 : f32
    %add3A_59 = vector.broadcast %add3A_58 : f32 to vector<1088x1xf32>
    %add3A_60 = arith.addf %div3A_55, %add3A_59 : vector<1088x1xf32>
    %sqrt3A = math.sqrt %add3A_60 : vector<1088x1xf32>
    %div3A_61 = vector.broadcast %sqrt3A : vector<1088x1xf32> to vector<1088x1024xf32>
    %div3A_62 = arith.divf %sub3A_57, %div3A_61 : vector<1088x1024xf32>
    %get3A_63 = arith.constant 0 : index
    %get3A_64 = arith.constant 0 : index
    %get3A_65 = vector.load %arg13[%get3A_63, %get3A_64] : memref<1x1024xf32, #tpu.memory_space<vmem>>, vector<1x1024xf32>
    %mul3A_66 = vector.broadcast %get3A_65 : vector<1x1024xf32> to vector<1088x1024xf32>
    %mul3A_67 = arith.mulf %div3A_62, %mul3A_66 : vector<1088x1024xf32>
    %get3A_68 = arith.constant 0 : index
    %get3A_69 = arith.constant 0 : index
    %get3A_70 = vector.load %arg14[%get3A_68, %get3A_69] : memref<1x1024xf32, #tpu.memory_space<vmem>>, vector<1x1024xf32>
    %add3A_71 = vector.broadcast %get3A_70 : vector<1x1024xf32> to vector<1088x1024xf32>
    %add3A_72 = arith.addf %mul3A_67, %add3A_71 : vector<1088x1024xf32>
    %reshape3A_73 = vector.shape_cast %add3A_72 : vector<1088x1024xf32> to vector<17x64x1024xf32>
    %get3A_74 = arith.constant 0 : index
    %get3A_75 = arith.constant 0 : index
    %get3A_76 = vector.load %arg3[%get3A_74, %get3A_75] : memref<64x1024xf32, #tpu.memory_space<vmem>>, vector<64x1024xf32>
    %broadcast_in_dim3A_77 = vector.shape_cast %get3A_76 : vector<64x1024xf32> to vector<1x64x1024xf32>
    %mul3A_78 = vector.broadcast %broadcast_in_dim3A_77 : vector<1x64x1024xf32> to vector<17x64x1024xf32>
    %mul3A_79 = arith.mulf %reshape3A_73, %mul3A_78 : vector<17x64x1024xf32>
    %reduce_sum3A_80 = arith.constant dense<0.000000e+00> : vector<17x64xf32>
    %reduce_sum3A_81 = vector.multi_reduction <add>, %mul3A_79, %reduce_sum3A_80 [2] : vector<17x64x1024xf32> to vector<17x64xf32>
    %mul3A_82 = arith.mulf %reshape3A_73, %reshape3A_73 : vector<17x64x1024xf32>
    %reduce_sum3A_83 = arith.constant dense<0.000000e+00> : vector<17x64xf32>
    %reduce_sum3A_84 = vector.multi_reduction <add>, %mul3A_82, %reduce_sum3A_83 [2] : vector<17x64x1024xf32> to vector<17x64xf32>
    %iota3A = tpu.iota {dimensions = array<i32: 0>} : vector<17x17xi32>
    %iota3A_85 = tpu.iota {dimensions = array<i32: 1>} : vector<17x17xi32>
    %eq3A = arith.cmpi eq, %iota3A, %iota3A_85 : vector<17x17xi32>
    %convert_element_type3A_86 = arith.extui %eq3A : vector<17x17xi1> to vector<17x17xi32>
    %convert_element_type3A_87 = arith.sitofp %convert_element_type3A_86 : vector<17x17xi32> to vector<17x17xf32>
    %dot_general3A_88 = arith.constant dense<0.000000e+00> : vector<64x17xf32>
    %dot_general3A_89 = tpu.matmul %reduce_sum3A_81, %convert_element_type3A_87, %dot_general3A_88 {dimension_numbers = #tpu.dot_dimension_numbers<[0], [0], [1], [1], [0, 1, 1, 1], [], []>, transpose_lhs_hint = false} : vector<17x64xf32>, vector<17x17xf32>, vector<64x17xf32> -> vector<64x17xf32>
    %dot_general3A_90 = arith.constant dense<0.000000e+00> : vector<64x17xf32>
    %dot_general3A_91 = tpu.matmul %reduce_sum3A_84, %convert_element_type3A_87, %dot_general3A_90 {dimension_numbers = #tpu.dot_dimension_numbers<[0], [0], [1], [1], [0, 1, 1, 1], [], []>, transpose_lhs_hint = false} : vector<17x64xf32>, vector<17x17xf32>, vector<64x17xf32> -> vector<64x17xf32>
    %sqrt3A_92 = math.sqrt %dot_general3A_91 : vector<64x17xf32>
    %mul3A_93 = arith.mulf %get3A_76, %get3A_76 : vector<64x1024xf32>
    %reduce_sum3A_94 = arith.constant dense<0.000000e+00> : vector<64xf32>
    %reduce_sum3A_95 = vector.multi_reduction <add>, %mul3A_93, %reduce_sum3A_94 [1] : vector<64x1024xf32> to vector<64xf32>
    %broadcast_in_dim3A_96 = vector.shape_cast %reduce_sum3A_95 : vector<64xf32> to vector<64x1xf32>
    %sqrt3A_97 = math.sqrt %broadcast_in_dim3A_96 : vector<64x1xf32>
    %max3A = arith.constant 9.99999993E-9 : f32
    %max3A_98 = vector.broadcast %max3A : f32 to vector<64x17xf32>
    %max3A_99 = arith.maximumf %sqrt3A_92, %max3A_98 : vector<64x17xf32>
    %max3A_100 = arith.constant 9.99999993E-9 : f32
    %max3A_101 = vector.broadcast %max3A_100 : f32 to vector<64x1xf32>
    %max3A_102 = arith.maximumf %sqrt3A_97, %max3A_101 : vector<64x1xf32>
    %mul3A_103 = vector.broadcast %max3A_102 : vector<64x1xf32> to vector<64x17xf32>
    %mul3A_104 = arith.mulf %max3A_99, %mul3A_103 : vector<64x17xf32>
    %div3A_105 = arith.divf %dot_general3A_89, %mul3A_104 : vector<64x17xf32>
    %get3A_106 = arith.constant 0 : index
    %get3A_107 = arith.constant 0 : index
    %get3A_108 = vector.load %arg5[%get3A_106, %get3A_107] : memref<64x17xf32, #tpu.memory_space<vmem>>, vector<64x17xf32>
    %gt3A = arith.constant 0.000000e+00 : f32
    %gt3A_109 = vector.broadcast %gt3A : f32 to vector<64x17xf32>
    %gt3A_110 = arith.cmpf ogt, %get3A_108, %gt3A_109 : vector<64x17xf32>
    %jit3A = arith.constant -1.000000e+09 : f32
    %broadcast_in_dim3A_111 = vector.broadcast %jit3A : f32 to vector<64x17xf32>
    %select_n3A = arith.select %gt3A_110, %div3A_105, %broadcast_in_dim3A_111 : vector<64x17xi1>, vector<64x17xf32>
    %div3A_112 = arith.constant 1.000000e+00 : f32
    %div3A_113 = vector.broadcast %div3A_112 : f32 to vector<64x17xf32>
    %div3A_114 = arith.divf %select_n3A, %div3A_113 : vector<64x17xf32>
    %reduce_max3A = arith.constant dense<0xFF800000> : vector<64xf32>
    %reduce_max3A_115 = vector.multi_reduction <maximumf>, %div3A_114, %reduce_max3A [1] : vector<64x17xf32> to vector<64xf32>
    %broadcast_in_dim3A_116 = vector.shape_cast %reduce_max3A_115 : vector<64xf32> to vector<64x1xf32>
    %sub3A_117 = vector.broadcast %broadcast_in_dim3A_116 : vector<64x1xf32> to vector<64x17xf32>
    %sub3A_118 = arith.subf %div3A_114, %sub3A_117 : vector<64x17xf32>
    %exp3A = math.exp %sub3A_118 : vector<64x17xf32>
    %reduce_sum3A_119 = arith.constant dense<0.000000e+00> : vector<64xf32>
    %reduce_sum3A_120 = vector.multi_reduction <add>, %exp3A, %reduce_sum3A_119 [1] : vector<64x17xf32> to vector<64xf32>
    %broadcast_in_dim3A_121 = vector.shape_cast %reduce_sum3A_120 : vector<64xf32> to vector<64x1xf32>
    %div3A_122 = vector.broadcast %broadcast_in_dim3A_121 : vector<64x1xf32> to vector<64x17xf32>
    %div3A_123 = arith.divf %exp3A, %div3A_122 : vector<64x17xf32>
    %mul3A_124 = arith.mulf %div3A_123, %get3A_108 : vector<64x17xf32>
    %get3A_125 = arith.constant 0 : index
    %get3A_126 = arith.constant 0 : index
    %get3A_127 = vector.load %arg4[%get3A_125, %get3A_126] : memref<64x17xf32, #tpu.memory_space<vmem>>, vector<64x17xf32>
    %get3A_128 = arith.constant 0 : index
    %get3A_129 = arith.constant 0 : index
    %get3A_130 = vector.load %arg6[%get3A_128, %get3A_129] : memref<64x1xf32, #tpu.memory_space<vmem>>, vector<64x1xf32>
    %sub3A_131 = vector.broadcast %get3A_130 : vector<64x1xf32> to vector<64x17xf32>
    %sub3A_132 = arith.subf %get3A_127, %sub3A_131 : vector<64x17xf32>
    %mul3A_133 = arith.mulf %mul3A_124, %sub3A_132 : vector<64x17xf32>
    %mul3A_134 = arith.mulf %mul3A_133, %get3A_108 : vector<64x17xf32>
    %reduce_sum3A_135 = arith.constant dense<0.000000e+00> : vector<64xf32>
    %reduce_sum3A_136 = vector.multi_reduction <add>, %mul3A_134, %reduce_sum3A_135 [1] : vector<64x17xf32> to vector<64xf32>
    %broadcast_in_dim3A_137 = vector.shape_cast %reduce_sum3A_136 : vector<64xf32> to vector<64x1xf32>
    %neg3A = arith.constant 0.000000e+00 : f32
    %neg3A_138 = vector.broadcast %neg3A : f32 to vector<64x1xf32>
    %neg3A_139 = arith.subf %neg3A_138, %broadcast_in_dim3A_137 : vector<64x1xf32>
    %get3A_140 = arith.constant 0 : index
    %get3A_141 = arith.constant 0 : index
    %get3A_142 = vector.load %arg7[%get3A_140, %get3A_141] : memref<64x1xf32, #tpu.memory_space<vmem>>, vector<64x1xf32>
    %eq3A_143 = arith.constant 0 : i32
    %eq3A_144 = arith.cmpi eq, %arg0, %eq3A_143 : i32
    %convert_element_type3A_145 = arith.extui %eq3A_144 : i1 to i32
    %cond3A = arith.constant 0 : i32
    %cond3A_146 = arith.cmpi ne, %convert_element_type3A_145, %cond3A : i32
    scf.if %cond3A_146 {
      %broadcast_in_dim3A_173 = arith.constant 0.000000e+00 : f32
      %broadcast_in_dim3A_174 = vector.broadcast %broadcast_in_dim3A_173 : f32 to vector<1x1xf32>
      %swap3A_175 = arith.constant 0 : index
      %swap3A_176 = arith.constant 0 : index
      %swap3A_177 = vector.load %arg15[%swap3A_175, %swap3A_176] : memref<1x1xf32, #tpu.memory_space<vmem>>, vector<1x1xf32>
      tpu.vector_store %arg15[%swap3A_175, %swap3A_176], %broadcast_in_dim3A_174 {strides = array<i32>} : memref<1x1xf32, #tpu.memory_space<vmem>>, vector<1x1xf32>,
      %broadcast_in_dim3A_178 = arith.constant 0.000000e+00 : f32
      %broadcast_in_dim3A_179 = vector.broadcast %broadcast_in_dim3A_178 : f32 to vector<1x1xf32>
      %swap3A_180 = arith.constant 0 : index
      %swap3A_181 = arith.constant 0 : index
      %swap3A_182 = vector.load %arg16[%swap3A_180, %swap3A_181] : memref<1x1xf32, #tpu.memory_space<vmem>>, vector<1x1xf32>
      tpu.vector_store %arg16[%swap3A_180, %swap3A_181], %broadcast_in_dim3A_179 {strides = array<i32>} : memref<1x1xf32, #tpu.memory_space<vmem>>, vector<1x1xf32>,
    } else {
    }
    %get3A_147 = arith.constant 0 : index
    %get3A_148 = arith.constant 0 : index
    %get3A_149 = vector.load %arg15[%get3A_147, %get3A_148] : memref<1x1xf32, #tpu.memory_space<vmem>>, vector<1x1xf32>
    %mul3A_150 = arith.mulf %neg3A_139, %get3A_142 : vector<64x1xf32>
    %reduce_sum3A_151 = vector.shape_cast %mul3A_150 : vector<64x1xf32> to vector<1x64x1xf32>
    %reduce_sum3A_152 = arith.constant dense<0.000000e+00> : vector<1xf32>
    %reduce_sum3A_153 = vector.multi_reduction <add>, %reduce_sum3A_151, %reduce_sum3A_152 [1, 2] : vector<1x64x1xf32> to vector<1xf32>
    %reduce_sum3A_154 = vector.shape_cast %reduce_sum3A_153 : vector<1xf32> to vector<1x1x1xf32>
    %reduce_sum3A_155 = vector.extract %reduce_sum3A_154[0, 0, 0] : f32 from vector<1x1x1xf32>
    %reshape3A_156 = vector.broadcast %reduce_sum3A_155 : f32 to vector<1x1xf32>
    %add3A_157 = arith.addf %get3A_149, %reshape3A_156 : vector<1x1xf32>
    %swap3A = arith.constant 0 : index
    %swap3A_158 = arith.constant 0 : index
    %swap3A_159 = vector.load %arg15[%swap3A, %swap3A_158] : memref<1x1xf32, #tpu.memory_space<vmem>>, vector<1x1xf32>
    tpu.vector_store %arg15[%swap3A, %swap3A_158], %add3A_157 {strides = array<i32>} : memref<1x1xf32, #tpu.memory_space<vmem>>, vector<1x1xf32>,
    %get3A_160 = arith.constant 0 : index
    %get3A_161 = arith.constant 0 : index
    %get3A_162 = vector.load %arg16[%get3A_160, %get3A_161] : memref<1x1xf32, #tpu.memory_space<vmem>>, vector<1x1xf32>
    %reduce_sum3A_163 = vector.shape_cast %get3A_142 : vector<64x1xf32> to vector<1x64x1xf32>
    %reduce_sum3A_164 = arith.constant dense<0.000000e+00> : vector<1xf32>
    %reduce_sum3A_165 = vector.multi_reduction <add>, %reduce_sum3A_163, %reduce_sum3A_164 [1, 2] : vector<1x64x1xf32> to vector<1xf32>
    %reduce_sum3A_166 = vector.shape_cast %reduce_sum3A_165 : vector<1xf32> to vector<1x1x1xf32>
    %reduce_sum3A_167 = vector.extract %reduce_sum3A_166[0, 0, 0] : f32 from vector<1x1x1xf32>
    %reshape3A_168 = vector.broadcast %reduce_sum3A_167 : f32 to vector<1x1xf32>
    %add3A_169 = arith.addf %get3A_162, %reshape3A_168 : vector<1x1xf32>
    %swap3A_170 = arith.constant 0 : index
    %swap3A_171 = arith.constant 0 : index
    %swap3A_172 = vector.load %arg16[%swap3A_170, %swap3A_171] : memref<1x1xf32, #tpu.memory_space<vmem>>, vector<1x1xf32>
    tpu.vector_store %arg16[%swap3A_170, %swap3A_171], %add3A_169 {strides = array<i32>} : memref<1x1xf32, #tpu.memory_space<vmem>>, vector<1x1xf32>,
    return
  }
  func.func @transform_0(%arg0: i32) -> (i32, i32, i32) {
    %c0_i32 = arith.constant 0 : i32
    %c0_i32_0 = arith.constant 0 : i32
    %c0_i32_1 = arith.constant 0 : i32
    return %c0_i32, %arg0, %c0_i32_0 : i32, i32, i32
  }
  func.func @transform_1(%arg0: i32) -> (i32, i32) {
    %c0_i32 = arith.constant 0 : i32
    %c0_i32_0 = arith.constant 0 : i32
    return %arg0, %c0_i32 : i32, i32
  }
  func.func @transform_2(%arg0: i32) -> (i32, i32) {
    %c0_i32 = arith.constant 0 : i32
    %c0_i32_0 = arith.constant 0 : i32
    return %arg0, %c0_i32 : i32, i32
  }
  func.func @transform_3(%arg0: i32) -> (i32, i32) {
    %c0_i32 = arith.constant 0 : i32
    %c0_i32_0 = arith.constant 0 : i32
    return %arg0, %c0_i32 : i32, i32
  }
  func.func @transform_4(%arg0: i32) -> (i32, i32) {
    %c0_i32 = arith.constant 0 : i32
    %c0_i32_0 = arith.constant 0 : i32
    return %arg0, %c0_i32 : i32, i32
  }
  func.func @transform_5(%arg0: i32) -> (i32, i32) {
    %c0_i32 = arith.constant 0 : i32
    %c0_i32_0 = arith.constant 0 : i32
    return %arg0, %c0_i32 : i32, i32
  }
  func.func @transform_6(%arg0: i32) -> (i32, i32) {
    %c0_i32 = arith.constant 0 : i32
    %c0_i32_0 = arith.constant 0 : i32
    return %arg0, %c0_i32 : i32, i32
  }
  func.func @transform_7(%arg0: i32) -> (i32, i32) {
    %c0_i32 = arith.constant 0 : i32
    %c0_i32_0 = arith.constant 0 : i32
    %c0_i32_1 = arith.constant 0 : i32
    return %c0_i32, %c0_i32_0 : i32, i32
  }
  func.func @transform_8(%arg0: i32) -> (i32, i32) {
    %c0_i32 = arith.constant 0 : i32
    %c0_i32_0 = arith.constant 0 : i32
    %c0_i32_1 = arith.constant 0 : i32
    return %c0_i32, %c0_i32_0 : i32, i32
  }
  func.func @transform_9(%arg0: i32) -> (i32, i32) {
    %c0_i32 = arith.constant 0 : i32
    %c0_i32_0 = arith.constant 0 : i32
    %c0_i32_1 = arith.constant 0 : i32
    return %c0_i32, %c0_i32_0 : i32, i32
  }
  func.func @transform_10(%arg0: i32) -> (i32, i32) {
    %c0_i32 = arith.constant 0 : i32
    %c0_i32_0 = arith.constant 0 : i32
    %c0_i32_1 = arith.constant 0 : i32
    return %c0_i32, %c0_i32_0 : i32, i32
  }
  func.func @transform_11(%arg0: i32) -> (i32, i32) {
    %c0_i32 = arith.constant 0 : i32
    %c0_i32_0 = arith.constant 0 : i32
    %c0_i32_1 = arith.constant 0 : i32
    return %c0_i32, %c0_i32_0 : i32, i32
  }
  func.func @transform_12(%arg0: i32) -> (i32, i32) {
    %c0_i32 = arith.constant 0 : i32
    %c0_i32_0 = arith.constant 0 : i32
    %c0_i32_1 = arith.constant 0 : i32
    return %c0_i32, %c0_i32_0 : i32, i32
  }
  func.func @transform_13(%arg0: i32) -> (i32, i32) {
    %c0_i32 = arith.constant 0 : i32
    %c0_i32_0 = arith.constant 0 : i32
    %c0_i32_1 = arith.constant 0 : i32
    return %c0_i32, %c0_i32_0 : i32, i32
  }
  func.func @transform_14(%arg0: i32) -> (i32, i32) {
    %c0_i32 = arith.constant 0 : i32
    %c0_i32_0 = arith.constant 0 : i32
    %c0_i32_1 = arith.constant 0 : i32
    return %c0_i32, %c0_i32_0 : i32, i32
  }
  func.func @transform_15(%arg0: i32) -> (i32, i32) {
    %c0_i32 = arith.constant 0 : i32
    %c0_i32_0 = arith.constant 0 : i32
    %c0_i32_1 = arith.constant 0 : i32
    return %c0_i32, %c0_i32_0 : i32, i32
  }
}

</mosaic_0001>

<sc_bundles>
// kernel: kernel.5.cloned.1.call-start
scs
__scs_entry_jumppad:
0x0: {  	(pc) =	sbr.rel $0x88, $3  }
0x1: {  	(tag) =	ssettag $0x0;
	lr =	simm.s32 $0x1  }
0x2: {  	[smem:$0x3F94] =	sst lr;
	_ =	strace $0xD0000000  }
0x3: {  	_ = 	snop  }
0x4: {  	_ = 	snop  }
0x5: {  	_ = 	snop  }
0x6: {  	_ = 	snop  }
0x7: {  	_ = 	snop  }
__scs_overlays_trampoline_lowered:
0x8: {  	[smem:$0x3FA3] =	sst s0  }
0x9: {  	[smem:$0x3FA4] =	sst s1  }
0xa: {  	[smem:$0x3FA5] =	sst s2  }
0xb: {  	[smem:$0x3FA6] =	sst s3  }
0xc: {  	[smem:$0x3FA7] =	sst s4  }
0xd: {  	[smem:$0x3FA8] =	sst s5  }
0xe: {  	[smem:$0x3FA9] =	sst s6  }
0xf: {  	[smem:$0x3FAA] =	sst s7  }
0x10: {  	[smem:$0x3FAB] =	sst s8  }
0x11: {  	[smem:$0x3FAC] =	sst s9;
	s0 =	simm.s32 @!p0 $0x0  }
0x12: {  	s1 =	sld [smem:$0x3F92];
	s0 =	simm.s32 @p0 $0x1  }
0x13: {  	[smem:$0x3FAD] =	sst s0;
	s0 =	simm.s32 @!p1 $0x0  }
0x14: {  	s2 =	sld [smem:$0x3F91];
	s0 =	simm.s32 @p1 $0x1  }
0x15: {  	[smem:$0x3FAE] =	sst s0;
	s0 =	simm.s32 @!p2 $0x0  }
0x16: {  	s3 =	sld [smem:$0x3FDB];
	s0 =	simm.s32 @p2 $0x1  }
0x17: {  	s4 =	simm.s32 $0x1BF5;
	[smem:$0x3FB0] =	sst s0  }
0x18: {  	s0 =	sld [smem:$0x3F93];
	_ =	swait.ge [sflag:s4], $0x0  }
0x19: {  	s7 =	sld [smem:$0x3F94]  }
0x1a: {  	s8 =	sadd.s32 $0xFFFFE003, lr  }
0x1b: {  	s9 =	sadd.s32 $0xFFFFFEF7, lr;
	s5 =	simm.s32 $0xFFFFFFFF;
	p2 =	slt.u32 s8, $0xFFFFF086  }
0x1c: {  	p1 =	slt.u32 s9, $0xF7A;
	s5 =	simm.s32 @!p2 $0x0  }
0x1d: {  	s5 =	simm.s32 @p1 $0x1;
	p0 =	seq.s32 s7, s2  }
0x1e: {  	s7 =	smul.u32 @!p0 $0xF7A, s2;
	p2 =	seq.s32 @!p0 s5, $0x0  }
0x1f: {  	s9 =	smul.u32 $0xF7A, s1;
	s8 =	simm.s32 @!p0 $0x1BF5;
	p2 =	por !p2, p0  }
0x20: {  	[sflag:s8] =	ssyncset.s32 @!p0 $0xFFFFF086;
	s6 =	sadd.s32 @!p0 s3, s7;
	s7 =	simm.s32 @!p0 $0x108  }
0x21: {  	s3 =	sadd.s32 s3, s9;
	s6 =	sadd.s32 @!p0 $0x88, s6;
	s7 =	simm.s32 @p2 $0x1082  }
0x22: {  	[simem:s7], [sflag:s8] =	dma.local @!p0 [hbm:s6], $0xF7A  }
0x23: {  	s9 =	sor.u32 $0xD0000000, s2;
	s6 =	simm.s32 $0x108;
	_ =	swait.ge @!p0 [sflag:s8], $0x0  }
0x24: {  	s3 =	sadd.s32 $0x88, s3;
	s6 =	simm.s32 @!p1 $0x1082;
	[sflag:s4] =	ssyncset.s32 $0xFFFFF086  }
0x25: {  	[simem:s6], [sflag:s4] =	dma.local [hbm:s3], $0xF7A  }
0x26: {  	[smem:$0x3F94] =	sst s1;
	(tag) =	ssettag s2;
	_ =	strace s9  }
0x27: {  	s1 =	sld [smem:$0x3FA4]  }
0x28: {  	s2 =	sld [smem:$0x3FA5]  }
0x29: {  	s4 =	sld [smem:$0x3FA7]  }
0x2a: {  	p0 =	seq.s32 s5, $0x0;
	s5 =	sld [smem:$0x3FA8]  }
0x2b: {  	s6 =	sld [smem:$0x3FA9]  }
0x2c: {  	s7 =	sld [smem:$0x3FAA]  }
0x2d: {  	s3 =	simm.s32 $0x108;
	s8 =	sld [smem:$0x3FAB]  }
0x2e: {  	s3 =	simm.s32 @!p0 $0x1082;
	s9 =	sld [smem:$0x3FAC]  }
0x2f: {  	lr =	sadd.s32 s0, s3;
	s0 =	sld [smem:$0x3FA3]  }
0x30: {  	s3 =	sld [smem:$0x3FA6]  }
0x31: {  	[smem:$0x3FAF] =	sst s10  }
0x32: {  	s10 =	sld [smem:$0x3FAD];
	_ =	sdelay $0x3  }
0x33: {  	p0 =	seq.s32 s10, $0x1;
	s10 =	sld [smem:$0x3FAF];
	_ =	sdelay $0x3  }
0x34: {  	[smem:$0x3FAF] =	sst s10  }
0x35: {  	s10 =	sld [smem:$0x3FAE];
	_ =	sdelay $0x3  }
0x36: {  	p1 =	seq.s32 s10, $0x1;
	s10 =	sld [smem:$0x3FAF];
	_ =	sdelay $0x3  }
0x37: {  	[smem:$0x3FAF] =	sst s10  }
0x38: {  	s10 =	sld [smem:$0x3FB0]  }
0x39: {  	_ = 	snop;
	(pc) =	sbr.ind lr, $3  }
0x3a: {  	_ = 	snop  }
0x3b: {  	_ = 	snop  }
0x3c: {  	p2 =	seq.s32 s10, $0x1;
	s10 =	sld [smem:$0x3FAF]  }
0x3d: {  	_ =	shalt  }
0x3e: {  	_ =	shalt  }
0x3f: {  	_ =	shalt  }
0x40: {  	_ =	shalt  }
0x41: {  	_ =	shalt  }
0x42: {  	_ =	shalt  }
0x43: {  	_ =	shalt  }
0x44: {  	_ =	shalt  }
0x45: {  	_ =	shalt  }
0x46: {  	_ =	shalt  }
0x47: {  	_ =	shalt  }
0x48: {  	_ =	shalt  }
0x49: {  	_ =	shalt  }
0x4a: {  	_ =	shalt  }
0x4b: {  	_ =	shalt  }
0x4c: {  	_ =	shalt  }
0x4d: {  	_ =	shalt  }
0x4e: {  	_ =	shalt  }
0x4f: {  	_ =	shalt  }
0x50: {  	_ =	shalt  }
0x51: {  	_ =	shalt  }
0x52: {  	_ =	shalt  }
0x53: {  	_ =	shalt  }
0x54: {  	_ =	shalt  }
0x55: {  	_ =	shalt  }
0x56: {  	_ =	shalt  }
0x57: {  	_ =	shalt  }
0x58: {  	_ =	shalt  }
0x59: {  	_ =	shalt  }
0x5a: {  	_ =	shalt  }
0x5b: {  	_ =	shalt  }
0x5c: {  	_ =	shalt  }
0x5d: {  	_ =	shalt  }
0x5e: {  	_ =	shalt  }
0x5f: {  	_ =	shalt  }
0x60: {  	_ =	shalt  }
0x61: {  	_ =	shalt  }
0x62: {  	_ =	shalt  }
0x63: {  	_ =	shalt  }
0x64: {  	_ =	shalt  }
0x65: {  	_ =	shalt  }
0x66: {  	_ =	shalt  }
0x67: {  	_ =	shalt  }
0x68: {  	_ =	shalt  }
0x69: {  	_ =	shalt  }
0x6a: {  	_ =	shalt  }
0x6b: {  	_ =	shalt  }
0x6c: {  	_ =	shalt  }
0x6d: {  	_ =	shalt  }
0x6e: {  	_ =	shalt  }
0x6f: {  	_ =	shalt  }
0x70: {  	_ =	shalt  }
0x71: {  	_ =	shalt  }
0x72: {  	_ =	shalt  }
0x73: {  	_ =	shalt  }
0x74: {  	_ =	shalt  }
0x75: {  	_ =	shalt  }
0x76: {  	_ =	shalt  }
0x77: {  	_ =	shalt  }
0x78: {  	_ =	shalt  }
0x79: {  	_ =	shalt  }
0x7a: {  	_ =	shalt  }
0x7b: {  	_ =	shalt  }
0x7c: {  	_ =	shalt  }
0x7d: {  	_ =	shalt  }
0x7e: {  	_ =	shalt  }
0x7f: {  	_ =	shalt  }
0x80: {  	_ =	shalt  }
0x81: {  	_ =	shalt  }
0x82: {  	_ =	shalt  }
0x83: {  	_ =	shalt  }
0x84: {  	_ =	shalt  }
0x85: {  	_ =	shalt  }
0x86: {  	_ =	shalt  }
0x87: {  	_ =	shalt  }
.Lfunc_end0:
.L_simem_size_0:
called_computation_lowered:
.L_overlay_start_0:
0x88: {  	s2 =	sld [smem:$0x3FD9]  }
0x89: {  	s3 =	sld [smem:$0x3FFE];
	_ =	sdelay $0x1  }
0x8a: {  	s1 =	srdreg.scid  }
0x8b: {  	s0 =	sand.u32 $0x1, s1  }
0x8c: {  	s17 =	sshll.u32 s0, $0xA;
	s2 =	sadd.s32 s3, s2  }
0x8d: {  	s2 =	sadd.s32 s2, s17  }
0x8e: {  	[smem:$0x3FBB] =	sst s2  }
0x8f: {  	_ = 	snop  }
0x90: {  	s2 =	sld [smem:$0x3FC4];
	(tm) =	ssettm $0x1  }
0x91: {  	s18 =	sld [smem:$0x3FFB];
	_ =	sdelay $0x3  }
0x92: {  	_ =	strace s18  }
0x93: {  	s3 =	sld [smem:$0x3FFC];
	_ =	sdelay $0x3  }
0x94: {  	_ =	strace s3  }
0x95: {  	s3 =	sld [smem:$0x3FFD];
	_ =	sdelay $0x3  }
0x96: {  	_ =	strace s3  }
0x97: {  	_ =	strace $0x8FFFFFFF  }
0x98: {  	s19 =	sld [smem:$0x3FDB];
	_ =	sdelay $0x1  }
0x99: {  	s4 =	simm.s32 $_scs_section_size  }
0x9a: {  	s5 =	simm.s32 $_size__tile_overlayer_lowered;
	s6 =	simm.s32 $_tile_overlayer_lowered  }
0x9b: {  	s22 =	simm.s32 $0x1BFF;
	s21 =	sshll.u32 s6, $0x1;
	s3 =	sadd.s32 s4, s19  }
0x9c: {  	s7 =	simm.s32 $0x0;
	s20 =	sshll.u32 s5, $0x1;
	s5 =	sadd.s32 s21, s3  }
0x9d: {  	[timem:s7], [sflag:s22] =	dma.local [hbm:s5], s20  }
0x9e: {  	_ =	swait.ge [sflag:s22], s20  }
0x9f: {  	s4 =	ssub.s32 $0x0, s20;
	[sflag:s22] =	ssyncset.done $0x0  }
0xa0: {  	[sflag:s22] =	ssyncadd.s32 s4;
	_ =	sdelay $0x1  }
0xa1: {  	s23 =	simm.s32 $0x1B8B  }
0xa2: {  	_ =	swait.ge [sflag:s23], $0x1  }
0xa3: {  	[sflag:s23] =	ssyncset.done $0x0  }
0xa4: {  	s25 =	simm.s32 $0x1B8E;
	s24 =	sld [smem:$0x3FFE];
	[sflag:s23] =	ssyncadd.s32 $0xFFFFFFFF  }
0xa5: {  	s26 =	simm.s32 $execute0_lowered;
	[smem:$0x3FD2] =	sst s25  }
0xa6: {  	s5 =	sshll.u32 s26, $0x1;
	_ =	strace $0x80000046;
	[dreg:$0x1] =	wrdreg $0xFFFFFFFF  }
0xa7: {  	s28 =	simm.s32 $_size_execute0_lowered;
	s3 =	sadd.s32 s3, s5;
	[dreg:$0x0] =	wrdreg $0x0  }
0xa8: {  	s5 =	sshll.u32 s28, $0x1;
	[dreg:$0x2] =	wrdreg s3  }
0xa9: {  	[dreg:$0x3] =	wrdreg s5  }
0xaa: {  	[dreg:$0x4] =	wrdreg $0xC0  }
0xab: {  	_ =	task [dreg:s7], $0x5FFFF  }
0xac: {  	[dreg:$0x1] =	wrdreg $0xFFFFFFFF  }
0xad: {  	[dreg:$0x0] =	wrdreg $0x60  }
0xae: {  	[dreg:$0x2] =	wrdreg s2  }
0xaf: {  	[dreg:$0x3] =	wrdreg s24  }
0xb0: {  	[dreg:$0x4] =	wrdreg $0x9  }
0xb1: {  	_ =	task.clear_ibuf [dreg:s7], $0x5FFFF;
	_ =	strace $0x90000046  }
0xb2: {  	s29 =	simm.s32 $0x9;
	_ =	strace $0x80000048  }
0xb3: {  	_ =	swait.ge [sflag:s29], $0x1  }
0xb4: {  	[sflag:s29] =	ssyncadd.s32 $0xFFFFFFFF  }
0xb5: {  	_ =	strace $0x90000048  }
0xb6: {  	_ =	sfence  }
0xb7: {  	s30 =	sld [smem:$0x0];
	_ =	sdelay $0x2  }
0xb8: {  	s31 =	sshll.u32 s1, $0xD;
	s1 =	sshrl.u32 s1, $0x2  }
0xb9: {  	s3 =	sand.u32 $0x4000, s31;
	s1 =	sadd.s32 s1, s30  }
0xba: {  	s0 =	sor.u32 s3, s0;
	s1 =	sshll.u32 s1, $0x11  }
0xbb: {  	s0 =	sor.u32 s1, s0  }
0xbc: {  	s0 =	sadd.s32 $0x8F2B, s0  }
0xbd: {  	[sflag:s0] =	ssyncadd.remote.s32 $0x1  }
0xbe: {  	_ =	sfence.sel $0xFFFF  }
0xbf: {  	[dreg:$0x0] =	wrdreg $0xFFFFFFFF;
	(pc) =	sbr.abs _section_cstart, $3  }
0xc0: {  	[dreg:$0x1] =	wrdreg $0xFFFFFFFF  }
0xc1: {  	_ =	task.clear_ibuf [dreg:s7], $0x2FFFF;
	_ =	strace $0x9FFFFFFF  }
0xc2: {  	(tm) =	ssettm $0x7FFFFFFF  }
0xc3: {  	_ =	shalt  }
tec
execute0_lowered:
.L_overlay_start_1:
0x0: {  	(tag) =	ssettag $0x1  }
0x1: {  	s0 =	srdreg.scid;
	s5 =	stileid.u32  }
0x2: {  	s2 =	rddreg [dreg:$0x0];
	s0 =	sand.u32 $0x1, s0;
	s1 =	smul.u32 $0x880, s5  }
0x3: {  	s4 =	rddreg [dreg:$0x1];
	s12 =	simm.s32 $0x880;
	s3 =	smul.u32 $0x440, s0  }
0x4: {  	s14 =	simm.s32 $0x1080;
	s16 =	simm.s32 $0x1880;
	s17 =	simm.s32 $0x2080  }
0x5: {  	s18 =	simm.s32 $0x2880;
	s1 =	sadd.s32 s3, s1;
	s3 =	simm.s32 $0x0  }
0x6: {  	s19 =	simm.s32 $0x3080;
	s20 =	simm.s32 $0x3880;
	[smem:$0x7FF] =	sst s3  }
0x7: {  	s21 =	simm.s32 $0x4080;
	_ =	strace $0x80000047;
	[dreg:$0x4] =	wrdreg s12  }
0x8: {  	s22 =	simm.s32 $0x4880;
	s23 =	simm.s32 $0x5080;
	[dreg:$0x5] =	wrdreg s14  }
0x9: {  	s24 =	simm.s32 $0x5880;
	s9 =	simm.s32 $0x2;
	[dreg:$0x6] =	wrdreg s16  }
0xa: {  	s25 =	simm.s32 $0x6080;
	s13 =	ssub.s32 $0x2, s0;
	[dreg:$0x7] =	wrdreg s17  }
0xb: {  	s10 =	simm.s32 $0x80;
	s15 =	sshrl.u32 s13, $0x1;
	[dreg:$0x8] =	wrdreg s18  }
0xc: {  	s5 =	smul.u32 $0x44000, s5;
	s7 =	ssub.s32 s13, s15;
	[dreg:$0x9] =	wrdreg s19  }
0xd: {  	s0 =	smul.u32 $0x22000, s0;
	s7 =	smax.u32 s7, $0x1;
	[dreg:$0xa] =	wrdreg s20  }
0xe: {  	s26 =	simm.s32 $0x6880;
	s8 =	sadd.s32 s5, s4;
	[dreg:$0x11] =	wrdreg s7  }
0xf: {  	s11 =	simm.s32 $0x7080;
	s0 =	sadd.s32 s0, s8;
	[dreg:$0xb] =	wrdreg s21  }
0x10: {  	s28 =	simm.s32 $0xF080;
	s0 =	sadd.s32 $0x23A00, s0;
	[dreg:$0xc] =	wrdreg s22  }
0x11: {  	s29 =	simm.s32 $0xF880;
	s30 =	simm.s32 $0x1;
	[dreg:$0x12] =	wrdreg s0  }
0x12: {  	s31 =	simm.s32 $0x0;
	s6 =	sadd.s32 $0x300, s2;
	[dreg:$0xd] =	wrdreg s23  }
0x13: {  	s5 =	sadd.s32 $0x200, s2;
	s13 =	simm.s32 $0x8080;
	[dreg:$0xe] =	wrdreg s24  }
0x14: {  	s15 =	simm.s32 $0x9080;
	s1 =	sshrl.u32 s1, $0x3;
	[dreg:$0xf] =	wrdreg s25  }
0x15: {  	s1 =	sadd.s32 s1, s4;
	s4 =	sadd.s32 $0x100, s2;
	[dreg:$0x10] =	wrdreg s26  }
0x16: {  	s12 =	simm.s32 $0x7880;
	s14 =	simm.s32 $0x8880;
	s16 =	simm.s32 $0x9880  }
0x17: {  	s17 =	simm.s32 $0xA080;
	s18 =	simm.s32 $0xA880;
	s19 =	simm.s32 $0xB080  }
0x18: {  	v2 =	vlaneseq.u32;
	s20 =	simm.s32 $0xB880;
	s21 =	simm.s32 $0xC080;
	s22 =	simm.s32 $0xC880  }
0x19: {  	vm0 =	vmmov $0xffff;
	v1 =	vshrl.u32 v2, $0x3;
	s23 =	simm.s32 $0xD080;
	s24 =	simm.s32 $0xD880;
	s1 =	sadd.s32 $0x22800, s1  }
0x1a: {  	v0 =	vand.u32 $0x7, v2;
	v2 =	vor.u32 $0x8, v2;
	v1 =	vmul.u32 $0x8, v1;
	s25 =	simm.s32 $0xE080;
	s26 =	simm.s32 $0xE880;
	[dreg:$0x3] =	wrdreg s1  }
.LBB2_1:
0x1b: {  	s8 =	rddreg [dreg:$0x12];
	s0 =	simm.s32 $0x0  }
.LBB2_2:
0x1c: {  	s7 =	rddreg [dreg:$0x3]  }
0x1d: {  	s7 =	sadd.s32 s0, s7  }
0x1e: {  	[tilespmem:s3], [sflag:$0x2] =	stream.linear.gather [hbm4b:s7+s3], $0x40, $0x38;
	[tilespmem:$0x10080] =	vst v63  }
0x1f: {  	_ =	swait.ge [sflag:s9], $0x40  }
0x20: {  	[sflag:s9] =	ssyncset.done $0x0  }
0x21: {  	[sflag:s9] =	ssyncadd.s32 $0xFFFFFFC0  }
0x22: {  	v3 =	vld [tilespmem:$0x0];
	_ =	sdelay $0x4  }
0x23: {  	v4 =	vshll.u32 v3, $0x3  }
0x24: {  	v3 =	vand.u32 $0x7, v3;
	v4 =	vand.u32 $0xFFFFFFC0, v4  }
0x25: {  	v3 =	vor.u32 v3, v4  }
0x26: {  	v4 =	vperm.xlane v3, v0;
	_ =	sdelay $0x1  }
0x27: {  	v4 =	vadd.s32 v1, v4;
	_ =	sdelay $0x4  }
0x28: {  	[tilespmem:s10], [sflag:$0x1] =	stream.indirect_vreg.gather [hbm4b:s2+s3], $0x80, v4, vm0, $0xb8;
	[tilespmem:$0x10080] =	vst v63  }
0x29: {  	s7 =	rddreg [dreg:$0x4];
	v3 =	vperm.xlane v3, v2  }
0x2a: {  	[tilespmem:s7], [sflag:$0x1] =	stream.indirect_vreg.gather [hbm4b:s4+s3], $0x80, v4, vm0, $0xb8;
	[tilespmem:$0x10080] =	vst v63  }
0x2b: {  	s1 =	rddreg [dreg:$0x5];
	v3 =	vadd.s32 v1, v3  }
0x2c: {  	[tilespmem:s1], [sflag:$0x1] =	stream.indirect_vreg.gather [hbm4b:s5+s3], $0x80, v4, vm0, $0xb8;
	[tilespmem:$0x10080] =	vst v63  }
0x2d: {  	s7 =	rddreg [dreg:$0x6]  }
0x2e: {  	[tilespmem:s7], [sflag:$0x1] =	stream.indirect_vreg.gather [hbm4b:s6+s3], $0x80, v4, vm0, $0xb8;
	[tilespmem:$0x10080] =	vst v63  }
0x2f: {  	s1 =	rddreg [dreg:$0x7]  }
0x30: {  	[tilespmem:s1], [sflag:$0x1] =	stream.indirect_vreg.gather [hbm4b:s2+s3], $0x80, v3, vm0, $0xb8;
	[tilespmem:$0x10080] =	vst v63  }
0x31: {  	s7 =	rddreg [dreg:$0x8]  }
0x32: {  	[tilespmem:s7], [sflag:$0x1] =	stream.indirect_vreg.gather [hbm4b:s4+s3], $0x80, v3, vm0, $0xb8;
	[tilespmem:$0x10080] =	vst v63  }
0x33: {  	s1 =	rddreg [dreg:$0x9]  }
0x34: {  	[tilespmem:s1], [sflag:$0x1] =	stream.indirect_vreg.gather [hbm4b:s5+s3], $0x80, v3, vm0, $0xb8;
	[tilespmem:$0x10080] =	vst v63  }
0x35: {  	s7 =	rddreg [dreg:$0xa]  }
0x36: {  	[tilespmem:s7], [sflag:$0x1] =	stream.indirect_vreg.gather [hbm4b:s6+s3], $0x80, v3, vm0, $0xb8;
	[tilespmem:$0x10080] =	vst v63  }
0x37: {  	v3 =	vld [tilespmem:$0x10];
	_ =	sdelay $0x4  }
0x38: {  	v61 =	vshll.u32 v3, $0x3  }
0x39: {  	v3 =	vand.u32 $0x7, v3;
	v4 =	vand.u32 $0xFFFFFFC0, v61  }
0x3a: {  	v3 =	vor.u32 v3, v4  }
0x3b: {  	v4 =	vperm.xlane v3, v0;
	_ =	sdelay $0x1  }
0x3c: {  	v4 =	vadd.s32 v1, v4;
	_ =	sdelay $0x3  }
0x3d: {  	s1 =	rddreg [dreg:$0xb]  }
0x3e: {  	[tilespmem:s1], [sflag:$0x1] =	stream.indirect_vreg.gather [hbm4b:s2+s3], $0x80, v4, vm0, $0xb8;
	[tilespmem:$0x10080] =	vst v63  }
0x3f: {  	s7 =	rddreg [dreg:$0xc];
	v3 =	vperm.xlane v3, v2  }
0x40: {  	[tilespmem:s7], [sflag:$0x1] =	stream.indirect_vreg.gather [hbm4b:s4+s3], $0x80, v4, vm0, $0xb8;
	[tilespmem:$0x10080] =	vst v63  }
0x41: {  	v3 =	vadd.s32 v1, v3;
	s1 =	rddreg [dreg:$0xd]  }
0x42: {  	[tilespmem:s1], [sflag:$0x1] =	stream.indirect_vreg.gather [hbm4b:s5+s3], $0x80, v4, vm0, $0xb8;
	[tilespmem:$0x10080] =	vst v63  }
0x43: {  	s7 =	rddreg [dreg:$0xe]  }
0x44: {  	[tilespmem:s7], [sflag:$0x1] =	stream.indirect_vreg.gather [hbm4b:s6+s3], $0x80, v4, vm0, $0xb8;
	[tilespmem:$0x10080] =	vst v63  }
0x45: {  	s1 =	rddreg [dreg:$0xf]  }
0x46: {  	[tilespmem:s1], [sflag:$0x1] =	stream.indirect_vreg.gather [hbm4b:s2+s3], $0x80, v3, vm0, $0xb8;
	[tilespmem:$0x10080] =	vst v63  }
0x47: {  	s7 =	rddreg [dreg:$0x10]  }
0x48: {  	[tilespmem:s7], [sflag:$0x1] =	stream.indirect_vreg.gather [hbm4b:s4+s3], $0x80, v3, vm0, $0xb8;
	[tilespmem:$0x10080] =	vst v63  }
0x49: {  	_ = 	snop  }
0x4a: {  	[tilespmem:s11], [sflag:$0x1] =	stream.indirect_vreg.gather [hbm4b:s5+s3], $0x80, v3, vm0, $0xb8;
	[tilespmem:$0x10080] =	vst v63  }
0x4b: {  	_ = 	snop  }
0x4c: {  	[tilespmem:s12], [sflag:$0x1] =	stream.indirect_vreg.gather [hbm4b:s6+s3], $0x80, v3, vm0, $0xb8;
	[tilespmem:$0x10080] =	vst v63  }
0x4d: {  	v3 =	vld [tilespmem:$0x20];
	_ =	sdelay $0x4  }
0x4e: {  	v62 =	vshll.u32 v3, $0x3  }
0x4f: {  	v3 =	vand.u32 $0x7, v3;
	v4 =	vand.u32 $0xFFFFFFC0, v62  }
0x50: {  	v3 =	vor.u32 v3, v4  }
0x51: {  	v4 =	vperm.xlane v3, v0;
	_ =	sdelay $0x1  }
0x52: {  	v4 =	vadd.s32 v1, v4;
	_ =	sdelay $0x4  }
0x53: {  	[tilespmem:s13], [sflag:$0x1] =	stream.indirect_vreg.gather [hbm4b:s2+s3], $0x80, v4, vm0, $0xb8;
	[tilespmem:$0x10080] =	vst v63  }
0x54: {  	v3 =	vperm.xlane v3, v2  }
0x55: {  	[tilespmem:s14], [sflag:$0x1] =	stream.indirect_vreg.gather [hbm4b:s4+s3], $0x80, v4, vm0, $0xb8;
	[tilespmem:$0x10080] =	vst v63  }
0x56: {  	v3 =	vadd.s32 v1, v3  }
0x57: {  	[tilespmem:s15], [sflag:$0x1] =	stream.indirect_vreg.gather [hbm4b:s5+s3], $0x80, v4, vm0, $0xb8;
	[tilespmem:$0x10080] =	vst v63  }
0x58: {  	_ = 	snop  }
0x59: {  	[tilespmem:s16], [sflag:$0x1] =	stream.indirect_vreg.gather [hbm4b:s6+s3], $0x80, v4, vm0, $0xb8;
	[tilespmem:$0x10080] =	vst v63  }
0x5a: {  	_ = 	snop  }
0x5b: {  	[tilespmem:s17], [sflag:$0x1] =	stream.indirect_vreg.gather [hbm4b:s2+s3], $0x80, v3, vm0, $0xb8;
	[tilespmem:$0x10080] =	vst v63  }
0x5c: {  	_ = 	snop  }
0x5d: {  	[tilespmem:s18], [sflag:$0x1] =	stream.indirect_vreg.gather [hbm4b:s4+s3], $0x80, v3, vm0, $0xb8;
	[tilespmem:$0x10080] =	vst v63  }
0x5e: {  	_ = 	snop  }
0x5f: {  	[tilespmem:s19], [sflag:$0x1] =	stream.indirect_vreg.gather [hbm4b:s5+s3], $0x80, v3, vm0, $0xb8;
	[tilespmem:$0x10080] =	vst v63  }
0x60: {  	_ = 	snop  }
0x61: {  	[tilespmem:s20], [sflag:$0x1] =	stream.indirect_vreg.gather [hbm4b:s6+s3], $0x80, v3, vm0, $0xb8;
	[tilespmem:$0x10080] =	vst v63  }
0x62: {  	v3 =	vld [tilespmem:$0x30];
	_ =	sdelay $0x4  }
0x63: {  	v63 =	vshll.u32 v3, $0x3  }
0x64: {  	v3 =	vand.u32 $0x7, v3;
	v4 =	vand.u32 $0xFFFFFFC0, v63  }
0x65: {  	v3 =	vor.u32 v3, v4  }
0x66: {  	v4 =	vperm.xlane v3, v0;
	_ =	sdelay $0x1  }
0x67: {  	v4 =	vadd.s32 v1, v4;
	_ =	sdelay $0x4  }
0x68: {  	[tilespmem:s21], [sflag:$0x1] =	stream.indirect_vreg.gather [hbm4b:s2+s3], $0x80, v4, vm0, $0xb8;
	[tilespmem:$0x10080] =	vst v63  }
0x69: {  	v3 =	vperm.xlane v3, v2  }
0x6a: {  	[tilespmem:s22], [sflag:$0x1] =	stream.indirect_vreg.gather [hbm4b:s4+s3], $0x80, v4, vm0, $0xb8;
	[tilespmem:$0x10080] =	vst v63  }
0x6b: {  	v3 =	vadd.s32 v1, v3  }
0x6c: {  	[tilespmem:s23], [sflag:$0x1] =	stream.indirect_vreg.gather [hbm4b:s5+s3], $0x80, v4, vm0, $0xb8;
	[tilespmem:$0x10080] =	vst v63  }
0x6d: {  	_ = 	snop  }
0x6e: {  	[tilespmem:s24], [sflag:$0x1] =	stream.indirect_vreg.gather [hbm4b:s6+s3], $0x80, v4, vm0, $0xb8;
	[tilespmem:$0x10080] =	vst v63  }
0x6f: {  	_ = 	snop  }
0x70: {  	[tilespmem:s25], [sflag:$0x1] =	stream.indirect_vreg.gather [hbm4b:s2+s3], $0x80, v3, vm0, $0xb8;
	[tilespmem:$0x10080] =	vst v63  }
0x71: {  	_ = 	snop  }
0x72: {  	[tilespmem:s26], [sflag:$0x1] =	stream.indirect_vreg.gather [hbm4b:s4+s3], $0x80, v3, vm0, $0xb8;
	[tilespmem:$0x10080] =	vst v63  }
0x73: {  	_ = 	snop  }
0x74: {  	[tilespmem:s28], [sflag:$0x1] =	stream.indirect_vreg.gather [hbm4b:s5+s3], $0x80, v3, vm0, $0xb8;
	[tilespmem:$0x10080] =	vst v63  }
0x75: {  	_ = 	snop  }
0x76: {  	[tilespmem:s29], [sflag:$0x1] =	stream.indirect_vreg.gather [hbm4b:s6+s3], $0x80, v3, vm0, $0xb8;
	[tilespmem:$0x10080] =	vst v63  }
0x77: {  	_ =	swait.ge [sflag:s30], $0x10000  }
0x78: {  	p0 =	sne.s32 s0, $0x80;
	[sflag:s30] =	ssyncset.done $0x0  }
.Ltmp0:
0x79: {  	[sflag:s30] =	ssyncadd.s32 $0xFFFF0000;
	(pc) =	sbr.rel @p0 .LBB2_2-.Ltmp0, $4  }
0x7a: {  	[hbm4b:s8+s3] =	stream.linear.scatter [tilespmem:s10], [sflag:$0x2], $0x10000, $0x38;
	[tilespmem:$0x10080] =	vst v63  }
0x7b: {  	_ =	swait.ge [sflag:s9], $0x10000  }
0x7c: {  	[sflag:s9] =	ssyncset.done $0x0  }
0x7d: {  	s0 =	sadd.s32 $0x8, s0;
	s8 =	sadd.s32 $0x2000, s8;
	[sflag:s9] =	ssyncadd.s32 $0xFFFF0000  }
0x7e: {  	s31 =	sadd.s32 $0x1, s31;
	s0 =	rddreg [dreg:$0x11]  }
0x7f: {  	p0 =	sne.s32 s31, s0  }
.Ltmp1:
0x80: {  	_ = 	snop;
	(pc) =	sbr.rel @p0 .LBB2_1-.Ltmp1, $1  }
0x81: {  	_ =	sdelay $0x3  }
0x82: {  	_ =	sfence.sel $0x180000  }
0x83: {  	[bflag:$0x0] =	sbarrier.arrive $0xFFFF  }
0x84: {  	_ =	strace $0x90000047  }
0x85: {  	s0 =	stileid.u32;
	[bflag:$0x2] =	sbarrier.arrive $0xFFFF  }
0x86: {  	p0 =	sne.s32 s0, $0x0;
	s0 =	rddreg [dreg:$0x2]  }
0x87: {  	s0 =	sadd.s32 @!p0 $0x100000, s0  }
0x88: {  	[sflag:s0] =	ssyncadd.tile.s32 @!p0 $0x1;
	_ =	shalt  }
.Lfunc_end2:
_tile_overlayer_lowered:
.L_overlay_start_2:
0x89: {  	(tag) =	ssettag $0x2  }
0x8a: {  	s0 =	rddreg [dreg:$0x0];
	s2 =	stileid.u32  }
0x8b: {  	s1 =	rddreg [dreg:$0x1];
	p0 =	sne.s32 s2, $0x0  }
0x8c: {  	s3 =	rddreg [dreg:$0x2];
	[bflag:$0x3] =	sbarrier.arrive $0xFFFF;
	s2 =	simm.s32 @!p0 $0x1C02  }
0x8d: {  	[timem:s3], [sflag:s2] =	dma.local @!p0 [hbm:s0], s1  }
0x8e: {  	s0 =	simm.s32 @!p0 $0x2  }
0x8f: {  	_ =	swait.ge @!p0 [sflag:s0], s1  }
0x90: {  	s1 =	ssub.s32 @!p0 $0x0, s1;
	[sflag:s0] =	ssyncset.done @!p0 $0x0  }
0x91: {  	[sflag:s0] =	ssyncadd.s32 @!p0 s1  }
0x92: {  	[bflag:$0x3] =	sbarrier.arrive $0xFFFF  }
0x93: {  	_ =	shalt  }

</sc_bundles>
